<compile_context>
chip_gen: v7x
topology: tpu7x:2x2x1
jax: 0.10.2.dev20260603
libtpu: 0.0.44.dev20260713+nightly
codegen_flags: <defaults>
</compile_context>

<pallas_src>
import jax
import jax.numpy as jnp
from jax import lax
from jax.experimental import pallas as pl
from jax.experimental.pallas import tpu as pltpu
from jax.experimental.pallas import tpu_sc as plsc

V = 1000000
D = 32
B = 4096
H = 200
NC = 2
NS = 16
NW = NC * NS
BPT = B // NW
IPT = BPT * H
C0 = 128
C1 = H - C0
L = 16
NBUF = 4
GRP = BPT // NBUF

TR_COLS = 16384
TR_GRID = (V + TR_COLS - 1) // TR_COLS
VP = TR_GRID * TR_COLS
TR_Q = TR_COLS // 4


def _tr_body(tt_ref, out_ref):
    q = TR_Q
    c = tt_ref[...].T
    out_ref[...] = jnp.concatenate(
        [c[q * a:q * (a + 1), :] for a in range(4)], axis=1)


def _copies(table_hbm, idx_v, rows_v, sem, b, j):
    off0 = pl.multiple_of(b * H, 8)
    off1 = pl.multiple_of(b * H + C0, 8)
    c0 = pltpu.make_async_copy(table_hbm.at[idx_v.at[pl.ds(off0, C0)]],
                               rows_v.at[j].at[pl.ds(0, C0)], sem)
    c1 = pltpu.make_async_copy(table_hbm.at[idx_v.at[pl.ds(off1, C1)]],
                               rows_v.at[j].at[pl.ds(C0, C1)], sem)
    return c0, c1


def _body(table_hbm, idx_hbm, len_hbm, out_hbm, idx_v, len_v, rows_v, out_v,
          s0, s1, s2, s3):
    sems = (s0, s1, s2, s3)
    wid = lax.axis_index("s") * NC + lax.axis_index("c")
    base_b = pl.multiple_of(wid * BPT, 8)
    base_i = pl.multiple_of(wid * IPT, 8)
    pltpu.sync_copy(idx_hbm.at[pl.ds(base_i, IPT)], idx_v)
    pltpu.sync_copy(len_hbm.at[pl.ds(base_b, BPT)], len_v)

    def start(b, j):
        c0, c1 = _copies(table_hbm, idx_v, rows_v, sems[j], b, j)
        c0.start()
        c1.start()

    def wait(b, j):
        c0, c1 = _copies(table_hbm, idx_v, rows_v, sems[j], b, j)
        c0.wait()
        c1.wait()

    for j in range(NBUF):
        start(j, j)

    def group_body(g, carry):
        for j in range(NBUF):
            b = g * NBUF + j
            wait(b, j)

            def red(i, accs):
                a0, a1 = accs
                for u in range(8):
                    r = i * 8 + u
                    a0 = a0 + rows_v[j, r, pl.ds(0, L)]
                    a1 = a1 + rows_v[j, r, pl.ds(L, L)]
                return a0, a1

            z = jnp.zeros((L,), jnp.float32)
            a0, a1 = lax.fori_loop(0, H // 8, red, (z, z))
            out_v[b, pl.ds(0, L)] = a0 / len_v[b, pl.ds(0, L)]
            out_v[b, pl.ds(L, L)] = a1 / len_v[b, pl.ds(L, L)]
            start(jnp.minimum(b + NBUF, BPT - 1), j)
        return carry

    lax.fori_loop(0, GRP, group_body, 0)
    for j in range(NBUF):
        wait(BPT - 1, j)
    pltpu.sync_copy(out_v, out_hbm.at[pl.ds(base_b, BPT)])


@jax.jit
def _pooled(table, idx_flat, len2d):
    tt = table.T
    t4 = pl.pallas_call(
        _tr_body,
        grid=(TR_GRID,),
        in_specs=[pl.BlockSpec((D, TR_COLS), lambda i: (0, i))],
        out_specs=pl.BlockSpec((TR_COLS // 4, 128), lambda i: (i, 0)),
        out_shape=jax.ShapeDtypeStruct((VP * D // 128, 128), jnp.float32),
    )(tt)
    table_lin = t4.reshape(-1).reshape(VP, D)

    mesh = plsc.VectorSubcoreMesh(core_axis_name="c", subcore_axis_name="s")
    k = pl.kernel(
        _body,
        mesh=mesh,
        out_type=jax.ShapeDtypeStruct((B, D), jnp.float32),
        scratch_types=[
            pltpu.VMEM((IPT,), jnp.int32),
            pltpu.VMEM((BPT, D), jnp.float32),
            pltpu.VMEM((NBUF, H, D), jnp.float32),
            pltpu.VMEM((BPT, D), jnp.float32),
            pltpu.SemaphoreType.DMA,
            pltpu.SemaphoreType.DMA,
            pltpu.SemaphoreType.DMA,
            pltpu.SemaphoreType.DMA,
        ],
        compiler_params=pltpu.CompilerParams(use_tc_tiling_on_sc=False),
    )
    return k(table_lin, idx_flat, len2d)


def kernel(glove_embeddings, indices, lengths):
    v = indices.astype(jnp.int32).reshape(-1)
    idx_flat = (v & -TR_COLS) | ((v & (TR_Q - 1)) << 2) | ((v // TR_Q) & 3)
    len2d = lengths.reshape(B, D)
    out = _pooled(glove_embeddings, idx_flat, len2d)
    return out.reshape(-1, 1)

# --- scband reference (transcript-rebuilt; emitter-appended) ---
"""Pipeline reference for scband-baseline-enc-20933670601261 (READ-ONLY COPY).

The authoritative reference and input builder live on the scoring server;
editing this copy changes nothing except your own understanding.
"""

import jax, jax.numpy as jnp
import numpy as np

VOCAB = 1000000
EMBED_DIM = 32
BATCH = 4096
HIST = 200

def setup_inputs(seed: int = 0) -> dict:
    key = jax.random.key(seed)
    k1, k2, k3 = jax.random.split(key, 3)
    glove_embeddings = jax.random.normal(k1, (VOCAB, EMBED_DIM), dtype=jnp.float32)
    indices = jax.random.randint(k2, (BATCH, HIST), 0, VOCAB, dtype=jnp.int64)
    # lengths must broadcast against [B*D, 1] due to the original view(-1, 1)
    lengths = jax.random.uniform(k3, (BATCH * EMBED_DIM, 1), dtype=jnp.float32, minval=0.5, maxval=1.5)
    return {"glove_embeddings": glove_embeddings, "indices": indices, "lengths": lengths}

def reference(glove_embeddings, indices, lengths):
    # embeddings = self.embeddings(indices)  -> gather rows
    embeddings = jnp.take(glove_embeddings, indices, axis=0)  # [B, L, D]
    # sum over sequence dim, then view(-1, 1) exactly as the torch code does
    sum_embeddings = embeddings.sum(axis=1).reshape(-1, 1).astype(jnp.float32)  # [B*D, 1]
    return sum_embeddings / lengths

if __name__ == "__main__":
    import jax
    _d = setup_inputs()
    print(jax.jit(kernel)(*tuple(_d.values())))

</pallas_src>

<mosaic_0001>
#map = affine_map<(d0, d1) -> (0, 0)>
#map1 = affine_map<(d0, d1) -> (0)>
module attributes {stable_mosaic.version = 14 : i64} {
  func.func @_body(%arg0: i32, %arg1: i32, %arg2: memref<1015808x32xf32, #tpu.memory_space<hbm>>, %arg3: memref<819200xi32, #tpu.memory_space<hbm>>, %arg4: memref<4096x32xf32, #tpu.memory_space<hbm>>, %arg5: memref<4096x32xf32, #tpu.memory_space<hbm>>, %arg6: memref<25600xi32, #tpu.memory_space<vmem>>, %arg7: memref<128x32xf32, #tpu.memory_space<vmem>>, %arg8: memref<4x200x32xf32, #tpu.memory_space<vmem>>, %arg9: memref<128x32xf32, #tpu.memory_space<vmem>>, %arg10: memref<!tpu.dma_semaphore, #tpu.memory_space<semaphore_mem>>, %arg11: memref<!tpu.dma_semaphore, #tpu.memory_space<semaphore_mem>>, %arg12: memref<!tpu.dma_semaphore, #tpu.memory_space<semaphore_mem>>, %arg13: memref<!tpu.dma_semaphore, #tpu.memory_space<semaphore_mem>>) attributes {dimension_semantics = [#tpu.dimension_semantics<core_parallel>, #tpu.dimension_semantics<subcore_parallel>], iteration_bounds = array<i64: 2, 16>, scalar_prefetch = 0 : i64, scratch_operands = 8 : i64, tpu.core_type = #tpu.core_type<sc_vector_subcore>, window_params = [{transform_indices = #map}, {transform_indices = #map1}, {transform_indices = #map}, {transform_indices = #map}]} {
    %mul3A = arith.constant 2 : i32
    %mul3A_0 = arith.muli %arg1, %mul3A : i32
    %add3A = arith.addi %mul3A_0, %arg0 : i32
    %mul3A_1 = arith.constant 128 : i32
    %mul3A_2 = arith.muli %add3A, %mul3A_1 : i32
    %multiple_of3A = tpu.assume_multiple %mul3A_2, 8 : i32
    %mul3A_3 = arith.constant 25600 : i32
    %mul3A_4 = arith.muli %add3A, %mul3A_3 : i32
    %multiple_of3A_5 = tpu.assume_multiple %mul3A_4, 8 : i32
    "tpu.region"() ({
      %run_scoped3A = tpu.sem_alloc : memref<!tpu.dma_semaphore, #tpu.memory_space<semaphore_mem>>
      %dma_start3A_233 = tpu.memref_slice %arg3[%multiple_of3A_5] : memref<819200xi32, #tpu.memory_space<hbm>> -> memref<25600xi32, #tpu.memory_space<hbm>>
      %dma_start3A_234 = tpu.memref_slice %arg3[%multiple_of3A_5] : memref<819200xi32, #tpu.memory_space<hbm>> -> memref<25600xi32, #tpu.memory_space<hbm>>
      tpu.enqueue_dma source(%dma_start3A_234 : memref<25600xi32, #tpu.memory_space<hbm>>) target(%arg6 : memref<25600xi32, #tpu.memory_space<vmem>>) target_semaphore(%run_scoped3A : memref<!tpu.dma_semaphore, #tpu.memory_space<semaphore_mem>>)
      %dma_wait3A_235 = tpu.memref_slice %arg3[%multiple_of3A_5] : memref<819200xi32, #tpu.memory_space<hbm>> -> memref<25600xi32, #tpu.memory_space<hbm>>
      %dma_wait3A_236 = tpu.memref_slice %arg3[%multiple_of3A_5] : memref<819200xi32, #tpu.memory_space<hbm>> -> memref<25600xi32, #tpu.memory_space<hbm>>
      tpu.wait_dma2 semaphore(%run_scoped3A : memref<!tpu.dma_semaphore, #tpu.memory_space<semaphore_mem>>) src(%dma_wait3A_236 : memref<25600xi32, #tpu.memory_space<hbm>>) dst(%arg6 : memref<25600xi32, #tpu.memory_space<vmem>>)
      tpu.yield
    }) : () -> ()
    "tpu.region"() ({
      %run_scoped3A = tpu.sem_alloc : memref<!tpu.dma_semaphore, #tpu.memory_space<semaphore_mem>>
      %dma_start3A_233 = arith.constant 0 : i32
      %dma_start3A_234 = tpu.memref_slice %arg4[%multiple_of3A, %dma_start3A_233] : memref<4096x32xf32, #tpu.memory_space<hbm>> -> memref<128x32xf32, #tpu.memory_space<hbm>>
      %dma_start3A_235 = arith.constant 0 : i32
      %dma_start3A_236 = tpu.memref_slice %arg4[%multiple_of3A, %dma_start3A_235] : memref<4096x32xf32, #tpu.memory_space<hbm>> -> memref<128x32xf32, #tpu.memory_space<hbm>>
      tpu.enqueue_dma source(%dma_start3A_236 : memref<128x32xf32, #tpu.memory_space<hbm>>) target(%arg7 : memref<128x32xf32, #tpu.memory_space<vmem>>) target_semaphore(%run_scoped3A : memref<!tpu.dma_semaphore, #tpu.memory_space<semaphore_mem>>)
      %dma_wait3A_237 = arith.constant 0 : i32
      %dma_wait3A_238 = tpu.memref_slice %arg4[%multiple_of3A, %dma_wait3A_237] : memref<4096x32xf32, #tpu.memory_space<hbm>> -> memref<128x32xf32, #tpu.memory_space<hbm>>
      %dma_wait3A_239 = arith.constant 0 : i32
      %dma_wait3A_240 = tpu.memref_slice %arg4[%multiple_of3A, %dma_wait3A_239] : memref<4096x32xf32, #tpu.memory_space<hbm>> -> memref<128x32xf32, #tpu.memory_space<hbm>>
      tpu.wait_dma2 semaphore(%run_scoped3A : memref<!tpu.dma_semaphore, #tpu.memory_space<semaphore_mem>>) src(%dma_wait3A_240 : memref<128x32xf32, #tpu.memory_space<hbm>>) dst(%arg7 : memref<128x32xf32, #tpu.memory_space<vmem>>)
      tpu.yield
    }) : () -> ()
    %multiple_of3A_6 = arith.constant 0 : i32
    %multiple_of3A_7 = tpu.assume_multiple %multiple_of3A_6, 8 : i32
    %multiple_of3A_8 = arith.constant 128 : i32
    %multiple_of3A_9 = tpu.assume_multiple %multiple_of3A_8, 8 : i32
    %dma_start3A = arith.constant 0 : i32
    %dma_start3A_10 = arith.constant 0 : i32
    %dma_start3A_11 = arith.constant 0 : i32
    %dma_start3A_12 = tpu.memref_slice %arg8[%dma_start3A, %dma_start3A_10, %dma_start3A_11] : memref<4x200x32xf32, #tpu.memory_space<vmem>> -> memref<1x200x32xf32, #tpu.memory_space<vmem>>
    %dma_start3A_13 = tpu.memref_squeeze %dma_start3A_12 : memref<1x200x32xf32, #tpu.memory_space<vmem>> -> memref<200x32xf32, #tpu.memory_space<vmem>>
    %dma_start3A_14 = arith.constant 0 : i32
    %dma_start3A_15 = arith.constant 0 : i32
    %dma_start3A_16 = tpu.memref_slice %dma_start3A_13[%dma_start3A_14, %dma_start3A_15] : memref<200x32xf32, #tpu.memory_space<vmem>> -> memref<128x32xf32, #tpu.memory_space<vmem>>
    %dma_start3A_17 = tpu.memref_slice %arg6[%multiple_of3A_7] : memref<25600xi32, #tpu.memory_space<vmem>> -> memref<128xi32, #tpu.memory_space<vmem>>
    %dma_start3A_18 = arith.constant 0 : i32
    %dma_start3A_19 = arith.constant 0 : i32
    %dma_start3A_20 = tpu.memref_slice %arg2[%dma_start3A_18, %dma_start3A_19] : memref<1015808x32xf32, #tpu.memory_space<hbm>> -> memref<1015808x32xf32, #tpu.memory_space<hbm>>
    tpu.enqueue_indirect_dma source(%dma_start3A_20 : memref<1015808x32xf32, #tpu.memory_space<hbm>>) target(%dma_start3A_16 : memref<128x32xf32, #tpu.memory_space<vmem>>) offsets(%dma_start3A_17 : memref<128xi32, #tpu.memory_space<vmem>>) semaphore(%arg10 : memref<!tpu.dma_semaphore, #tpu.memory_space<semaphore_mem>>)
    %dma_start3A_21 = arith.constant 0 : i32
    %dma_start3A_22 = arith.constant 0 : i32
    %dma_start3A_23 = arith.constant 0 : i32
    %dma_start3A_24 = tpu.memref_slice %arg8[%dma_start3A_21, %dma_start3A_22, %dma_start3A_23] : memref<4x200x32xf32, #tpu.memory_space<vmem>> -> memref<1x200x32xf32, #tpu.memory_space<vmem>>
    %dma_start3A_25 = tpu.memref_squeeze %dma_start3A_24 : memref<1x200x32xf32, #tpu.memory_space<vmem>> -> memref<200x32xf32, #tpu.memory_space<vmem>>
    %dma_start3A_26 = arith.constant 128 : i32
    %dma_start3A_27 = arith.constant 0 : i32
    %dma_start3A_28 = tpu.memref_slice %dma_start3A_25[%dma_start3A_26, %dma_start3A_27] : memref<200x32xf32, #tpu.memory_space<vmem>> -> memref<72x32xf32, #tpu.memory_space<vmem>>
    %dma_start3A_29 = tpu.memref_slice %arg6[%multiple_of3A_9] : memref<25600xi32, #tpu.memory_space<vmem>> -> memref<72xi32, #tpu.memory_space<vmem>>
    %dma_start3A_30 = arith.constant 0 : i32
    %dma_start3A_31 = arith.constant 0 : i32
    %dma_start3A_32 = tpu.memref_slice %arg2[%dma_start3A_30, %dma_start3A_31] : memref<1015808x32xf32, #tpu.memory_space<hbm>> -> memref<1015808x32xf32, #tpu.memory_space<hbm>>
    tpu.enqueue_indirect_dma source(%dma_start3A_32 : memref<1015808x32xf32, #tpu.memory_space<hbm>>) target(%dma_start3A_28 : memref<72x32xf32, #tpu.memory_space<vmem>>) offsets(%dma_start3A_29 : memref<72xi32, #tpu.memory_space<vmem>>) semaphore(%arg10 : memref<!tpu.dma_semaphore, #tpu.memory_space<semaphore_mem>>)
    %multiple_of3A_33 = arith.constant 200 : i32
    %multiple_of3A_34 = tpu.assume_multiple %multiple_of3A_33, 8 : i32
    %multiple_of3A_35 = arith.constant 328 : i32
    %multiple_of3A_36 = tpu.assume_multiple %multiple_of3A_35, 8 : i32
    %dma_start3A_37 = arith.constant 1 : i32
    %dma_start3A_38 = arith.constant 0 : i32
    %dma_start3A_39 = arith.constant 0 : i32
    %dma_start3A_40 = tpu.memref_slice %arg8[%dma_start3A_37, %dma_start3A_38, %dma_start3A_39] : memref<4x200x32xf32, #tpu.memory_space<vmem>> -> memref<1x200x32xf32, #tpu.memory_space<vmem>>
    %dma_start3A_41 = tpu.memref_squeeze %dma_start3A_40 : memref<1x200x32xf32, #tpu.memory_space<vmem>> -> memref<200x32xf32, #tpu.memory_space<vmem>>
    %dma_start3A_42 = arith.constant 0 : i32
    %dma_start3A_43 = arith.constant 0 : i32
    %dma_start3A_44 = tpu.memref_slice %dma_start3A_41[%dma_start3A_42, %dma_start3A_43] : memref<200x32xf32, #tpu.memory_space<vmem>> -> memref<128x32xf32, #tpu.memory_space<vmem>>
    %dma_start3A_45 = tpu.memref_slice %arg6[%multiple_of3A_34] : memref<25600xi32, #tpu.memory_space<vmem>> -> memref<128xi32, #tpu.memory_space<vmem>>
    %dma_start3A_46 = arith.constant 0 : i32
    %dma_start3A_47 = arith.constant 0 : i32
    %dma_start3A_48 = tpu.memref_slice %arg2[%dma_start3A_46, %dma_start3A_47] : memref<1015808x32xf32, #tpu.memory_space<hbm>> -> memref<1015808x32xf32, #tpu.memory_space<hbm>>
    tpu.enqueue_indirect_dma source(%dma_start3A_48 : memref<1015808x32xf32, #tpu.memory_space<hbm>>) target(%dma_start3A_44 : memref<128x32xf32, #tpu.memory_space<vmem>>) offsets(%dma_start3A_45 : memref<128xi32, #tpu.memory_space<vmem>>) semaphore(%arg11 : memref<!tpu.dma_semaphore, #tpu.memory_space<semaphore_mem>>)
    %dma_start3A_49 = arith.constant 1 : i32
    %dma_start3A_50 = arith.constant 0 : i32
    %dma_start3A_51 = arith.constant 0 : i32
    %dma_start3A_52 = tpu.memref_slice %arg8[%dma_start3A_49, %dma_start3A_50, %dma_start3A_51] : memref<4x200x32xf32, #tpu.memory_space<vmem>> -> memref<1x200x32xf32, #tpu.memory_space<vmem>>
    %dma_start3A_53 = tpu.memref_squeeze %dma_start3A_52 : memref<1x200x32xf32, #tpu.memory_space<vmem>> -> memref<200x32xf32, #tpu.memory_space<vmem>>
    %dma_start3A_54 = arith.constant 128 : i32
    %dma_start3A_55 = arith.constant 0 : i32
    %dma_start3A_56 = tpu.memref_slice %dma_start3A_53[%dma_start3A_54, %dma_start3A_55] : memref<200x32xf32, #tpu.memory_space<vmem>> -> memref<72x32xf32, #tpu.memory_space<vmem>>
    %dma_start3A_57 = tpu.memref_slice %arg6[%multiple_of3A_36] : memref<25600xi32, #tpu.memory_space<vmem>> -> memref<72xi32, #tpu.memory_space<vmem>>
    %dma_start3A_58 = arith.constant 0 : i32
    %dma_start3A_59 = arith.constant 0 : i32
    %dma_start3A_60 = tpu.memref_slice %arg2[%dma_start3A_58, %dma_start3A_59] : memref<1015808x32xf32, #tpu.memory_space<hbm>> -> memref<1015808x32xf32, #tpu.memory_space<hbm>>
    tpu.enqueue_indirect_dma source(%dma_start3A_60 : memref<1015808x32xf32, #tpu.memory_space<hbm>>) target(%dma_start3A_56 : memref<72x32xf32, #tpu.memory_space<vmem>>) offsets(%dma_start3A_57 : memref<72xi32, #tpu.memory_space<vmem>>) semaphore(%arg11 : memref<!tpu.dma_semaphore, #tpu.memory_space<semaphore_mem>>)
    %multiple_of3A_61 = arith.constant 400 : i32
    %multiple_of3A_62 = tpu.assume_multiple %multiple_of3A_61, 8 : i32
    %multiple_of3A_63 = arith.constant 528 : i32
    %multiple_of3A_64 = tpu.assume_multiple %multiple_of3A_63, 8 : i32
    %dma_start3A_65 = arith.constant 2 : i32
    %dma_start3A_66 = arith.constant 0 : i32
    %dma_start3A_67 = arith.constant 0 : i32
    %dma_start3A_68 = tpu.memref_slice %arg8[%dma_start3A_65, %dma_start3A_66, %dma_start3A_67] : memref<4x200x32xf32, #tpu.memory_space<vmem>> -> memref<1x200x32xf32, #tpu.memory_space<vmem>>
    %dma_start3A_69 = tpu.memref_squeeze %dma_start3A_68 : memref<1x200x32xf32, #tpu.memory_space<vmem>> -> memref<200x32xf32, #tpu.memory_space<vmem>>
    %dma_start3A_70 = arith.constant 0 : i32
    %dma_start3A_71 = arith.constant 0 : i32
    %dma_start3A_72 = tpu.memref_slice %dma_start3A_69[%dma_start3A_70, %dma_start3A_71] : memref<200x32xf32, #tpu.memory_space<vmem>> -> memref<128x32xf32, #tpu.memory_space<vmem>>
    %dma_start3A_73 = tpu.memref_slice %arg6[%multiple_of3A_62] : memref<25600xi32, #tpu.memory_space<vmem>> -> memref<128xi32, #tpu.memory_space<vmem>>
    %dma_start3A_74 = arith.constant 0 : i32
    %dma_start3A_75 = arith.constant 0 : i32
    %dma_start3A_76 = tpu.memref_slice %arg2[%dma_start3A_74, %dma_start3A_75] : memref<1015808x32xf32, #tpu.memory_space<hbm>> -> memref<1015808x32xf32, #tpu.memory_space<hbm>>
    tpu.enqueue_indirect_dma source(%dma_start3A_76 : memref<1015808x32xf32, #tpu.memory_space<hbm>>) target(%dma_start3A_72 : memref<128x32xf32, #tpu.memory_space<vmem>>) offsets(%dma_start3A_73 : memref<128xi32, #tpu.memory_space<vmem>>) semaphore(%arg12 : memref<!tpu.dma_semaphore, #tpu.memory_space<semaphore_mem>>)
    %dma_start3A_77 = arith.constant 2 : i32
    %dma_start3A_78 = arith.constant 0 : i32
    %dma_start3A_79 = arith.constant 0 : i32
    %dma_start3A_80 = tpu.memref_slice %arg8[%dma_start3A_77, %dma_start3A_78, %dma_start3A_79] : memref<4x200x32xf32, #tpu.memory_space<vmem>> -> memref<1x200x32xf32, #tpu.memory_space<vmem>>
    %dma_start3A_81 = tpu.memref_squeeze %dma_start3A_80 : memref<1x200x32xf32, #tpu.memory_space<vmem>> -> memref<200x32xf32, #tpu.memory_space<vmem>>
    %dma_start3A_82 = arith.constant 128 : i32
    %dma_start3A_83 = arith.constant 0 : i32
    %dma_start3A_84 = tpu.memref_slice %dma_start3A_81[%dma_start3A_82, %dma_start3A_83] : memref<200x32xf32, #tpu.memory_space<vmem>> -> memref<72x32xf32, #tpu.memory_space<vmem>>
    %dma_start3A_85 = tpu.memref_slice %arg6[%multiple_of3A_64] : memref<25600xi32, #tpu.memory_space<vmem>> -> memref<72xi32, #tpu.memory_space<vmem>>
    %dma_start3A_86 = arith.constant 0 : i32
    %dma_start3A_87 = arith.constant 0 : i32
    %dma_start3A_88 = tpu.memref_slice %arg2[%dma_start3A_86, %dma_start3A_87] : memref<1015808x32xf32, #tpu.memory_space<hbm>> -> memref<1015808x32xf32, #tpu.memory_space<hbm>>
    tpu.enqueue_indirect_dma source(%dma_start3A_88 : memref<1015808x32xf32, #tpu.memory_space<hbm>>) target(%dma_start3A_84 : memref<72x32xf32, #tpu.memory_space<vmem>>) offsets(%dma_start3A_85 : memref<72xi32, #tpu.memory_space<vmem>>) semaphore(%arg12 : memref<!tpu.dma_semaphore, #tpu.memory_space<semaphore_mem>>)
    %multiple_of3A_89 = arith.constant 600 : i32
    %multiple_of3A_90 = tpu.assume_multiple %multiple_of3A_89, 8 : i32
    %multiple_of3A_91 = arith.constant 728 : i32
    %multiple_of3A_92 = tpu.assume_multiple %multiple_of3A_91, 8 : i32
    %dma_start3A_93 = arith.constant 3 : i32
    %dma_start3A_94 = arith.constant 0 : i32
    %dma_start3A_95 = arith.constant 0 : i32
    %dma_start3A_96 = tpu.memref_slice %arg8[%dma_start3A_93, %dma_start3A_94, %dma_start3A_95] : memref<4x200x32xf32, #tpu.memory_space<vmem>> -> memref<1x200x32xf32, #tpu.memory_space<vmem>>
    %dma_start3A_97 = tpu.memref_squeeze %dma_start3A_96 : memref<1x200x32xf32, #tpu.memory_space<vmem>> -> memref<200x32xf32, #tpu.memory_space<vmem>>
    %dma_start3A_98 = arith.constant 0 : i32
    %dma_start3A_99 = arith.constant 0 : i32
    %dma_start3A_100 = tpu.memref_slice %dma_start3A_97[%dma_start3A_98, %dma_start3A_99] : memref<200x32xf32, #tpu.memory_space<vmem>> -> memref<128x32xf32, #tpu.memory_space<vmem>>
    %dma_start3A_101 = tpu.memref_slice %arg6[%multiple_of3A_90] : memref<25600xi32, #tpu.memory_space<vmem>> -> memref<128xi32, #tpu.memory_space<vmem>>
    %dma_start3A_102 = arith.constant 0 : i32
    %dma_start3A_103 = arith.constant 0 : i32
    %dma_start3A_104 = tpu.memref_slice %arg2[%dma_start3A_102, %dma_start3A_103] : memref<1015808x32xf32, #tpu.memory_space<hbm>> -> memref<1015808x32xf32, #tpu.memory_space<hbm>>
    tpu.enqueue_indirect_dma source(%dma_start3A_104 : memref<1015808x32xf32, #tpu.memory_space<hbm>>) target(%dma_start3A_100 : memref<128x32xf32, #tpu.memory_space<vmem>>) offsets(%dma_start3A_101 : memref<128xi32, #tpu.memory_space<vmem>>) semaphore(%arg13 : memref<!tpu.dma_semaphore, #tpu.memory_space<semaphore_mem>>)
    %dma_start3A_105 = arith.constant 3 : i32
    %dma_start3A_106 = arith.constant 0 : i32
    %dma_start3A_107 = arith.constant 0 : i32
    %dma_start3A_108 = tpu.memref_slice %arg8[%dma_start3A_105, %dma_start3A_106, %dma_start3A_107] : memref<4x200x32xf32, #tpu.memory_space<vmem>> -> memref<1x200x32xf32, #tpu.memory_space<vmem>>
    %dma_start3A_109 = tpu.memref_squeeze %dma_start3A_108 : memref<1x200x32xf32, #tpu.memory_space<vmem>> -> memref<200x32xf32, #tpu.memory_space<vmem>>
    %dma_start3A_110 = arith.constant 128 : i32
    %dma_start3A_111 = arith.constant 0 : i32
    %dma_start3A_112 = tpu.memref_slice %dma_start3A_109[%dma_start3A_110, %dma_start3A_111] : memref<200x32xf32, #tpu.memory_space<vmem>> -> memref<72x32xf32, #tpu.memory_space<vmem>>
    %dma_start3A_113 = tpu.memref_slice %arg6[%multiple_of3A_92] : memref<25600xi32, #tpu.memory_space<vmem>> -> memref<72xi32, #tpu.memory_space<vmem>>
    %dma_start3A_114 = arith.constant 0 : i32
    %dma_start3A_115 = arith.constant 0 : i32
    %dma_start3A_116 = tpu.memref_slice %arg2[%dma_start3A_114, %dma_start3A_115] : memref<1015808x32xf32, #tpu.memory_space<hbm>> -> memref<1015808x32xf32, #tpu.memory_space<hbm>>
    tpu.enqueue_indirect_dma source(%dma_start3A_116 : memref<1015808x32xf32, #tpu.memory_space<hbm>>) target(%dma_start3A_112 : memref<72x32xf32, #tpu.memory_space<vmem>>) offsets(%dma_start3A_113 : memref<72xi32, #tpu.memory_space<vmem>>) semaphore(%arg13 : memref<!tpu.dma_semaphore, #tpu.memory_space<semaphore_mem>>)
    %scan3A = arith.constant 0 : i32
    %scan3A_117 = arith.constant 0 : i32
    %scan3A_118 = arith.constant 32 : i32
    %scan3A_119 = arith.addi %scan3A_117, %scan3A_118 : i32
    %scan3A_120 = arith.constant 1 : i32
    scf.for %scan3A_233 = %scan3A_117 to %scan3A_119 step %scan3A_120  : i32 {
      %mul3A_234 = arith.constant 4 : i32
      %mul3A_235 = arith.muli %scan3A_233, %mul3A_234 : i32
      %add3A_236 = arith.constant 0 : i32
      %add3A_237 = arith.addi %mul3A_235, %add3A_236 : i32
      %mul3A_238 = arith.constant 200 : i32
      %mul3A_239 = arith.muli %add3A_237, %mul3A_238 : i32
      %multiple_of3A_240 = tpu.assume_multiple %mul3A_239, 8 : i32
      %mul3A_241 = arith.constant 200 : i32
      %mul3A_242 = arith.muli %add3A_237, %mul3A_241 : i32
      %add3A_243 = arith.constant 128 : i32
      %add3A_244 = arith.addi %mul3A_242, %add3A_243 : i32
      %multiple_of3A_245 = tpu.assume_multiple %add3A_244, 8 : i32
      %dma_wait3A_246 = arith.constant 0 : i32
      %dma_wait3A_247 = arith.constant 0 : i32
      %dma_wait3A_248 = arith.constant 0 : i32
      %dma_wait3A_249 = tpu.memref_slice %arg8[%dma_wait3A_246, %dma_wait3A_247, %dma_wait3A_248] : memref<4x200x32xf32, #tpu.memory_space<vmem>> -> memref<1x200x32xf32, #tpu.memory_space<vmem>>
      %dma_wait3A_250 = tpu.memref_squeeze %dma_wait3A_249 : memref<1x200x32xf32, #tpu.memory_space<vmem>> -> memref<200x32xf32, #tpu.memory_space<vmem>>
      %dma_wait3A_251 = arith.constant 0 : i32
      %dma_wait3A_252 = arith.constant 0 : i32
      %dma_wait3A_253 = tpu.memref_slice %dma_wait3A_250[%dma_wait3A_251, %dma_wait3A_252] : memref<200x32xf32, #tpu.memory_space<vmem>> -> memref<128x32xf32, #tpu.memory_space<vmem>>
      %dma_wait3A_254 = tpu.memref_slice %arg6[%multiple_of3A_240] : memref<25600xi32, #tpu.memory_space<vmem>> -> memref<128xi32, #tpu.memory_space<vmem>>
      %dma_wait3A_255 = arith.constant 0 : i32
      %dma_wait3A_256 = arith.constant 0 : i32
      %dma_wait3A_257 = tpu.memref_slice %arg2[%dma_wait3A_255, %dma_wait3A_256] : memref<1015808x32xf32, #tpu.memory_space<hbm>> -> memref<1015808x32xf32, #tpu.memory_space<hbm>>
      tpu.wait_indirect_dma semaphore(%arg10 : memref<!tpu.dma_semaphore, #tpu.memory_space<semaphore_mem>>) src(%dma_wait3A_257 : memref<1015808x32xf32, #tpu.memory_space<hbm>>) dst(%dma_wait3A_253 : memref<128x32xf32, #tpu.memory_space<vmem>>)
      %dma_wait3A_258 = arith.constant 0 : i32
      %dma_wait3A_259 = arith.constant 0 : i32
      %dma_wait3A_260 = arith.constant 0 : i32
      %dma_wait3A_261 = tpu.memref_slice %arg8[%dma_wait3A_258, %dma_wait3A_259, %dma_wait3A_260] : memref<4x200x32xf32, #tpu.memory_space<vmem>> -> memref<1x200x32xf32, #tpu.memory_space<vmem>>
      %dma_wait3A_262 = tpu.memref_squeeze %dma_wait3A_261 : memref<1x200x32xf32, #tpu.memory_space<vmem>> -> memref<200x32xf32, #tpu.memory_space<vmem>>
      %dma_wait3A_263 = arith.constant 128 : i32
      %dma_wait3A_264 = arith.constant 0 : i32
      %dma_wait3A_265 = tpu.memref_slice %dma_wait3A_262[%dma_wait3A_263, %dma_wait3A_264] : memref<200x32xf32, #tpu.memory_space<vmem>> -> memref<72x32xf32, #tpu.memory_space<vmem>>
      %dma_wait3A_266 = tpu.memref_slice %arg6[%multiple_of3A_245] : memref<25600xi32, #tpu.memory_space<vmem>> -> memref<72xi32, #tpu.memory_space<vmem>>
      %dma_wait3A_267 = arith.constant 0 : i32
      %dma_wait3A_268 = arith.constant 0 : i32
      %dma_wait3A_269 = tpu.memref_slice %arg2[%dma_wait3A_267, %dma_wait3A_268] : memref<1015808x32xf32, #tpu.memory_space<hbm>> -> memref<1015808x32xf32, #tpu.memory_space<hbm>>
      tpu.wait_indirect_dma semaphore(%arg10 : memref<!tpu.dma_semaphore, #tpu.memory_space<semaphore_mem>>) src(%dma_wait3A_269 : memref<1015808x32xf32, #tpu.memory_space<hbm>>) dst(%dma_wait3A_265 : memref<72x32xf32, #tpu.memory_space<vmem>>)
      %broadcast_in_dim3A = arith.constant 0.000000e+00 : f32
      %broadcast_in_dim3A_270 = vector.broadcast %broadcast_in_dim3A : f32 to vector<16xf32>
      %scan3A_271 = arith.constant 0 : i32
      %scan3A_272 = arith.constant 25 : i32
      %scan3A_273 = arith.addi %scan3A_271, %scan3A_272 : i32
      %scan3A_274 = arith.constant 1 : i32
      %scan3A_275:2 = scf.for %scan3A_629 = %scan3A_271 to %scan3A_273 step %scan3A_274 iter_args(%scan3A_630 = %broadcast_in_dim3A_270, %scan3A_631 = %broadcast_in_dim3A_270) -> (vector<16xf32>, vector<16xf32>)  : i32 {
        %mul3A_632 = arith.constant 8 : i32
        %mul3A_633 = arith.muli %scan3A_629, %mul3A_632 : i32
        %add3A_634 = arith.constant 0 : i32
        %add3A_635 = arith.addi %mul3A_633, %add3A_634 : i32
        %get3A_636 = arith.constant 0 : i32
        %get3A_637 = arith.index_cast %get3A_636 : i32 to index
        %get3A_638 = arith.index_cast %add3A_635 : i32 to index
        %get3A_639 = arith.constant 0 : index
        %get3A_640 = tpu.vector_load %arg8[%get3A_637, %get3A_638, %get3A_639] {strides = array<i32>} : memref<4x200x32xf32, #tpu.memory_space<vmem>>, vector<1x1x16xf32>,
        %get3A_641 = vector.shape_cast %get3A_640 : vector<1x1x16xf32> to vector<16xf32>
        %add3A_642 = arith.addf %scan3A_630, %get3A_641 : vector<16xf32>
        %get3A_643 = arith.constant 0 : i32
        %get3A_644 = arith.index_cast %get3A_643 : i32 to index
        %get3A_645 = arith.index_cast %add3A_635 : i32 to index
        %get3A_646 = arith.constant 16 : index
        %get3A_647 = tpu.vector_load %arg8[%get3A_644, %get3A_645, %get3A_646] {strides = array<i32>} : memref<4x200x32xf32, #tpu.memory_space<vmem>>, vector<1x1x16xf32>,
        %get3A_648 = vector.shape_cast %get3A_647 : vector<1x1x16xf32> to vector<16xf32>
        %add3A_649 = arith.addf %scan3A_631, %get3A_648 : vector<16xf32>
        %mul3A_650 = arith.constant 8 : i32
        %mul3A_651 = arith.muli %scan3A_629, %mul3A_650 : i32
        %add3A_652 = arith.constant 1 : i32
        %add3A_653 = arith.addi %mul3A_651, %add3A_652 : i32
        %get3A_654 = arith.constant 0 : i32
        %get3A_655 = arith.index_cast %get3A_654 : i32 to index
        %get3A_656 = arith.index_cast %add3A_653 : i32 to index
        %get3A_657 = arith.constant 0 : index
        %get3A_658 = tpu.vector_load %arg8[%get3A_655, %get3A_656, %get3A_657] {strides = array<i32>} : memref<4x200x32xf32, #tpu.memory_space<vmem>>, vector<1x1x16xf32>,
        %get3A_659 = vector.shape_cast %get3A_658 : vector<1x1x16xf32> to vector<16xf32>
        %add3A_660 = arith.addf %add3A_642, %get3A_659 : vector<16xf32>
        %get3A_661 = arith.constant 0 : i32
        %get3A_662 = arith.index_cast %get3A_661 : i32 to index
        %get3A_663 = arith.index_cast %add3A_653 : i32 to index
        %get3A_664 = arith.constant 16 : index
        %get3A_665 = tpu.vector_load %arg8[%get3A_662, %get3A_663, %get3A_664] {strides = array<i32>} : memref<4x200x32xf32, #tpu.memory_space<vmem>>, vector<1x1x16xf32>,
        %get3A_666 = vector.shape_cast %get3A_665 : vector<1x1x16xf32> to vector<16xf32>
        %add3A_667 = arith.addf %add3A_649, %get3A_666 : vector<16xf32>
        %mul3A_668 = arith.constant 8 : i32
        %mul3A_669 = arith.muli %scan3A_629, %mul3A_668 : i32
        %add3A_670 = arith.constant 2 : i32
        %add3A_671 = arith.addi %mul3A_669, %add3A_670 : i32
        %get3A_672 = arith.constant 0 : i32
        %get3A_673 = arith.index_cast %get3A_672 : i32 to index
        %get3A_674 = arith.index_cast %add3A_671 : i32 to index
        %get3A_675 = arith.constant 0 : index
        %get3A_676 = tpu.vector_load %arg8[%get3A_673, %get3A_674, %get3A_675] {strides = array<i32>} : memref<4x200x32xf32, #tpu.memory_space<vmem>>, vector<1x1x16xf32>,
        %get3A_677 = vector.shape_cast %get3A_676 : vector<1x1x16xf32> to vector<16xf32>
        %add3A_678 = arith.addf %add3A_660, %get3A_677 : vector<16xf32>
        %get3A_679 = arith.constant 0 : i32
        %get3A_680 = arith.index_cast %get3A_679 : i32 to index
        %get3A_681 = arith.index_cast %add3A_671 : i32 to index
        %get3A_682 = arith.constant 16 : index
        %get3A_683 = tpu.vector_load %arg8[%get3A_680, %get3A_681, %get3A_682] {strides = array<i32>} : memref<4x200x32xf32, #tpu.memory_space<vmem>>, vector<1x1x16xf32>,
        %get3A_684 = vector.shape_cast %get3A_683 : vector<1x1x16xf32> to vector<16xf32>
        %add3A_685 = arith.addf %add3A_667, %get3A_684 : vector<16xf32>
        %mul3A_686 = arith.constant 8 : i32
        %mul3A_687 = arith.muli %scan3A_629, %mul3A_686 : i32
        %add3A_688 = arith.constant 3 : i32
        %add3A_689 = arith.addi %mul3A_687, %add3A_688 : i32
        %get3A_690 = arith.constant 0 : i32
        %get3A_691 = arith.index_cast %get3A_690 : i32 to index
        %get3A_692 = arith.index_cast %add3A_689 : i32 to index
        %get3A_693 = arith.constant 0 : index
        %get3A_694 = tpu.vector_load %arg8[%get3A_691, %get3A_692, %get3A_693] {strides = array<i32>} : memref<4x200x32xf32, #tpu.memory_space<vmem>>, vector<1x1x16xf32>,
        %get3A_695 = vector.shape_cast %get3A_694 : vector<1x1x16xf32> to vector<16xf32>
        %add3A_696 = arith.addf %add3A_678, %get3A_695 : vector<16xf32>
        %get3A_697 = arith.constant 0 : i32
        %get3A_698 = arith.index_cast %get3A_697 : i32 to index
        %get3A_699 = arith.index_cast %add3A_689 : i32 to index
        %get3A_700 = arith.constant 16 : index
        %get3A_701 = tpu.vector_load %arg8[%get3A_698, %get3A_699, %get3A_700] {strides = array<i32>} : memref<4x200x32xf32, #tpu.memory_space<vmem>>, vector<1x1x16xf32>,
        %get3A_702 = vector.shape_cast %get3A_701 : vector<1x1x16xf32> to vector<16xf32>
        %add3A_703 = arith.addf %add3A_685, %get3A_702 : vector<16xf32>
        %mul3A_704 = arith.constant 8 : i32
        %mul3A_705 = arith.muli %scan3A_629, %mul3A_704 : i32
        %add3A_706 = arith.constant 4 : i32
        %add3A_707 = arith.addi %mul3A_705, %add3A_706 : i32
        %get3A_708 = arith.constant 0 : i32
        %get3A_709 = arith.index_cast %get3A_708 : i32 to index
        %get3A_710 = arith.index_cast %add3A_707 : i32 to index
        %get3A_711 = arith.constant 0 : index
        %get3A_712 = tpu.vector_load %arg8[%get3A_709, %get3A_710, %get3A_711] {strides = array<i32>} : memref<4x200x32xf32, #tpu.memory_space<vmem>>, vector<1x1x16xf32>,
        %get3A_713 = vector.shape_cast %get3A_712 : vector<1x1x16xf32> to vector<16xf32>
        %add3A_714 = arith.addf %add3A_696, %get3A_713 : vector<16xf32>
        %get3A_715 = arith.constant 0 : i32
        %get3A_716 = arith.index_cast %get3A_715 : i32 to index
        %get3A_717 = arith.index_cast %add3A_707 : i32 to index
        %get3A_718 = arith.constant 16 : index
        %get3A_719 = tpu.vector_load %arg8[%get3A_716, %get3A_717, %get3A_718] {strides = array<i32>} : memref<4x200x32xf32, #tpu.memory_space<vmem>>, vector<1x1x16xf32>,
        %get3A_720 = vector.shape_cast %get3A_719 : vector<1x1x16xf32> to vector<16xf32>
        %add3A_721 = arith.addf %add3A_703, %get3A_720 : vector<16xf32>
        %mul3A_722 = arith.constant 8 : i32
        %mul3A_723 = arith.muli %scan3A_629, %mul3A_722 : i32
        %add3A_724 = arith.constant 5 : i32
        %add3A_725 = arith.addi %mul3A_723, %add3A_724 : i32
        %get3A_726 = arith.constant 0 : i32
        %get3A_727 = arith.index_cast %get3A_726 : i32 to index
        %get3A_728 = arith.index_cast %add3A_725 : i32 to index
        %get3A_729 = arith.constant 0 : index
        %get3A_730 = tpu.vector_load %arg8[%get3A_727, %get3A_728, %get3A_729] {strides = array<i32>} : memref<4x200x32xf32, #tpu.memory_space<vmem>>, vector<1x1x16xf32>,
        %get3A_731 = vector.shape_cast %get3A_730 : vector<1x1x16xf32> to vector<16xf32>
        %add3A_732 = arith.addf %add3A_714, %get3A_731 : vector<16xf32>
        %get3A_733 = arith.constant 0 : i32
        %get3A_734 = arith.index_cast %get3A_733 : i32 to index
        %get3A_735 = arith.index_cast %add3A_725 : i32 to index
        %get3A_736 = arith.constant 16 : index
        %get3A_737 = tpu.vector_load %arg8[%get3A_734, %get3A_735, %get3A_736] {strides = array<i32>} : memref<4x200x32xf32, #tpu.memory_space<vmem>>, vector<1x1x16xf32>,
        %get3A_738 = vector.shape_cast %get3A_737 : vector<1x1x16xf32> to vector<16xf32>
        %add3A_739 = arith.addf %add3A_721, %get3A_738 : vector<16xf32>
        %mul3A_740 = arith.constant 8 : i32
        %mul3A_741 = arith.muli %scan3A_629, %mul3A_740 : i32
        %add3A_742 = arith.constant 6 : i32
        %add3A_743 = arith.addi %mul3A_741, %add3A_742 : i32
        %get3A_744 = arith.constant 0 : i32
        %get3A_745 = arith.index_cast %get3A_744 : i32 to index
        %get3A_746 = arith.index_cast %add3A_743 : i32 to index
        %get3A_747 = arith.constant 0 : index
        %get3A_748 = tpu.vector_load %arg8[%get3A_745, %get3A_746, %get3A_747] {strides = array<i32>} : memref<4x200x32xf32, #tpu.memory_space<vmem>>, vector<1x1x16xf32>,
        %get3A_749 = vector.shape_cast %get3A_748 : vector<1x1x16xf32> to vector<16xf32>
        %add3A_750 = arith.addf %add3A_732, %get3A_749 : vector<16xf32>
        %get3A_751 = arith.constant 0 : i32
        %get3A_752 = arith.index_cast %get3A_751 : i32 to index
        %get3A_753 = arith.index_cast %add3A_743 : i32 to index
        %get3A_754 = arith.constant 16 : index
        %get3A_755 = tpu.vector_load %arg8[%get3A_752, %get3A_753, %get3A_754] {strides = array<i32>} : memref<4x200x32xf32, #tpu.memory_space<vmem>>, vector<1x1x16xf32>,
        %get3A_756 = vector.shape_cast %get3A_755 : vector<1x1x16xf32> to vector<16xf32>
        %add3A_757 = arith.addf %add3A_739, %get3A_756 : vector<16xf32>
        %mul3A_758 = arith.constant 8 : i32
        %mul3A_759 = arith.muli %scan3A_629, %mul3A_758 : i32
        %add3A_760 = arith.constant 7 : i32
        %add3A_761 = arith.addi %mul3A_759, %add3A_760 : i32
        %get3A_762 = arith.constant 0 : i32
        %get3A_763 = arith.index_cast %get3A_762 : i32 to index
        %get3A_764 = arith.index_cast %add3A_761 : i32 to index
        %get3A_765 = arith.constant 0 : index
        %get3A_766 = tpu.vector_load %arg8[%get3A_763, %get3A_764, %get3A_765] {strides = array<i32>} : memref<4x200x32xf32, #tpu.memory_space<vmem>>, vector<1x1x16xf32>,
        %get3A_767 = vector.shape_cast %get3A_766 : vector<1x1x16xf32> to vector<16xf32>
        %add3A_768 = arith.addf %add3A_750, %get3A_767 : vector<16xf32>
        %get3A_769 = arith.constant 0 : i32
        %get3A_770 = arith.index_cast %get3A_769 : i32 to index
        %get3A_771 = arith.index_cast %add3A_761 : i32 to index
        %get3A_772 = arith.constant 16 : index
        %get3A_773 = tpu.vector_load %arg8[%get3A_770, %get3A_771, %get3A_772] {strides = array<i32>} : memref<4x200x32xf32, #tpu.memory_space<vmem>>, vector<1x1x16xf32>,
        %get3A_774 = vector.shape_cast %get3A_773 : vector<1x1x16xf32> to vector<16xf32>
        %add3A_775 = arith.addf %add3A_757, %get3A_774 : vector<16xf32>
        scf.yield %add3A_768, %add3A_775 : vector<16xf32>, vector<16xf32>
      }
      %scan3A_276 = arith.constant 25 : i32
      %get3A = arith.index_cast %add3A_237 : i32 to index
      %get3A_277 = arith.constant 0 : index
      %get3A_278 = tpu.vector_load %arg7[%get3A, %get3A_277] {strides = array<i32>} : memref<128x32xf32, #tpu.memory_space<vmem>>, vector<1x16xf32>,
      %get3A_279 = vector.shape_cast %get3A_278 : vector<1x16xf32> to vector<16xf32>
      %div3A = arith.divf %scan3A_275#0, %get3A_279 : vector<16xf32>
      %swap3A = arith.index_cast %add3A_237 : i32 to index
      %swap3A_280 = arith.constant 0 : index
      %swap3A_281 = tpu.vector_load %arg9[%swap3A, %swap3A_280] {strides = array<i32>} : memref<128x32xf32, #tpu.memory_space<vmem>>, vector<1x16xf32>,
      %swap3A_282 = vector.shape_cast %swap3A_281 : vector<1x16xf32> to vector<16xf32>
      %swap3A_283 = vector.shape_cast %div3A : vector<16xf32> to vector<1x16xf32>
      tpu.vector_store %arg9[%swap3A, %swap3A_280], %swap3A_283 {strides = array<i32>} : memref<128x32xf32, #tpu.memory_space<vmem>>, vector<1x16xf32>,
      %get3A_284 = arith.index_cast %add3A_237 : i32 to index
      %get3A_285 = arith.constant 16 : index
      %get3A_286 = tpu.vector_load %arg7[%get3A_284, %get3A_285] {strides = array<i32>} : memref<128x32xf32, #tpu.memory_space<vmem>>, vector<1x16xf32>,
      %get3A_287 = vector.shape_cast %get3A_286 : vector<1x16xf32> to vector<16xf32>
      %div3A_288 = arith.divf %scan3A_275#1, %get3A_287 : vector<16xf32>
      %swap3A_289 = arith.index_cast %add3A_237 : i32 to index
      %swap3A_290 = arith.constant 16 : index
      %swap3A_291 = tpu.vector_load %arg9[%swap3A_289, %swap3A_290] {strides = array<i32>} : memref<128x32xf32, #tpu.memory_space<vmem>>, vector<1x16xf32>,
      %swap3A_292 = vector.shape_cast %swap3A_291 : vector<1x16xf32> to vector<16xf32>
      %swap3A_293 = vector.shape_cast %div3A_288 : vector<16xf32> to vector<1x16xf32>
      tpu.vector_store %arg9[%swap3A_289, %swap3A_290], %swap3A_293 {strides = array<i32>} : memref<128x32xf32, #tpu.memory_space<vmem>>, vector<1x16xf32>,
      %add3A_294 = arith.constant 4 : i32
      %add3A_295 = arith.addi %add3A_237, %add3A_294 : i32
      %min3A = arith.constant 127 : i32
      %min3A_296 = arith.minsi %add3A_295, %min3A : i32
      %mul3A_297 = arith.constant 200 : i32
      %mul3A_298 = arith.muli %min3A_296, %mul3A_297 : i32
      %multiple_of3A_299 = tpu.assume_multiple %mul3A_298, 8 : i32
      %mul3A_300 = arith.constant 200 : i32
      %mul3A_301 = arith.muli %min3A_296, %mul3A_300 : i32
      %add3A_302 = arith.constant 128 : i32
      %add3A_303 = arith.addi %mul3A_301, %add3A_302 : i32
      %multiple_of3A_304 = tpu.assume_multiple %add3A_303, 8 : i32
      %dma_start3A_305 = arith.constant 0 : i32
      %dma_start3A_306 = arith.constant 0 : i32
      %dma_start3A_307 = arith.constant 0 : i32
      %dma_start3A_308 = tpu.memref_slice %arg8[%dma_start3A_305, %dma_start3A_306, %dma_start3A_307] : memref<4x200x32xf32, #tpu.memory_space<vmem>> -> memref<1x200x32xf32, #tpu.memory_space<vmem>>
      %dma_start3A_309 = tpu.memref_squeeze %dma_start3A_308 : memref<1x200x32xf32, #tpu.memory_space<vmem>> -> memref<200x32xf32, #tpu.memory_space<vmem>>
      %dma_start3A_310 = arith.constant 0 : i32
      %dma_start3A_311 = arith.constant 0 : i32
      %dma_start3A_312 = tpu.memref_slice %dma_start3A_309[%dma_start3A_310, %dma_start3A_311] : memref<200x32xf32, #tpu.memory_space<vmem>> -> memref<128x32xf32, #tpu.memory_space<vmem>>
      %dma_start3A_313 = tpu.memref_slice %arg6[%multiple_of3A_299] : memref<25600xi32, #tpu.memory_space<vmem>> -> memref<128xi32, #tpu.memory_space<vmem>>
      %dma_start3A_314 = arith.constant 0 : i32
      %dma_start3A_315 = arith.constant 0 : i32
      %dma_start3A_316 = tpu.memref_slice %arg2[%dma_start3A_314, %dma_start3A_315] : memref<1015808x32xf32, #tpu.memory_space<hbm>> -> memref<1015808x32xf32, #tpu.memory_space<hbm>>
      tpu.enqueue_indirect_dma source(%dma_start3A_316 : memref<1015808x32xf32, #tpu.memory_space<hbm>>) target(%dma_start3A_312 : memref<128x32xf32, #tpu.memory_space<vmem>>) offsets(%dma_start3A_313 : memref<128xi32, #tpu.memory_space<vmem>>) semaphore(%arg10 : memref<!tpu.dma_semaphore, #tpu.memory_space<semaphore_mem>>)
      %dma_start3A_317 = arith.constant 0 : i32
      %dma_start3A_318 = arith.constant 0 : i32
      %dma_start3A_319 = arith.constant 0 : i32
      %dma_start3A_320 = tpu.memref_slice %arg8[%dma_start3A_317, %dma_start3A_318, %dma_start3A_319] : memref<4x200x32xf32, #tpu.memory_space<vmem>> -> memref<1x200x32xf32, #tpu.memory_space<vmem>>
      %dma_start3A_321 = tpu.memref_squeeze %dma_start3A_320 : memref<1x200x32xf32, #tpu.memory_space<vmem>> -> memref<200x32xf32, #tpu.memory_space<vmem>>
      %dma_start3A_322 = arith.constant 128 : i32
      %dma_start3A_323 = arith.constant 0 : i32
      %dma_start3A_324 = tpu.memref_slice %dma_start3A_321[%dma_start3A_322, %dma_start3A_323] : memref<200x32xf32, #tpu.memory_space<vmem>> -> memref<72x32xf32, #tpu.memory_space<vmem>>
      %dma_start3A_325 = tpu.memref_slice %arg6[%multiple_of3A_304] : memref<25600xi32, #tpu.memory_space<vmem>> -> memref<72xi32, #tpu.memory_space<vmem>>
      %dma_start3A_326 = arith.constant 0 : i32
      %dma_start3A_327 = arith.constant 0 : i32
      %dma_start3A_328 = tpu.memref_slice %arg2[%dma_start3A_326, %dma_start3A_327] : memref<1015808x32xf32, #tpu.memory_space<hbm>> -> memref<1015808x32xf32, #tpu.memory_space<hbm>>
      tpu.enqueue_indirect_dma source(%dma_start3A_328 : memref<1015808x32xf32, #tpu.memory_space<hbm>>) target(%dma_start3A_324 : memref<72x32xf32, #tpu.memory_space<vmem>>) offsets(%dma_start3A_325 : memref<72xi32, #tpu.memory_space<vmem>>) semaphore(%arg10 : memref<!tpu.dma_semaphore, #tpu.memory_space<semaphore_mem>>)
      %mul3A_329 = arith.constant 4 : i32
      %mul3A_330 = arith.muli %scan3A_233, %mul3A_329 : i32
      %add3A_331 = arith.constant 1 : i32
      %add3A_332 = arith.addi %mul3A_330, %add3A_331 : i32
      %mul3A_333 = arith.constant 200 : i32
      %mul3A_334 = arith.muli %add3A_332, %mul3A_333 : i32
      %multiple_of3A_335 = tpu.assume_multiple %mul3A_334, 8 : i32
      %mul3A_336 = arith.constant 200 : i32
      %mul3A_337 = arith.muli %add3A_332, %mul3A_336 : i32
      %add3A_338 = arith.constant 128 : i32
      %add3A_339 = arith.addi %mul3A_337, %add3A_338 : i32
      %multiple_of3A_340 = tpu.assume_multiple %add3A_339, 8 : i32
      %dma_wait3A_341 = arith.constant 1 : i32
      %dma_wait3A_342 = arith.constant 0 : i32
      %dma_wait3A_343 = arith.constant 0 : i32
      %dma_wait3A_344 = tpu.memref_slice %arg8[%dma_wait3A_341, %dma_wait3A_342, %dma_wait3A_343] : memref<4x200x32xf32, #tpu.memory_space<vmem>> -> memref<1x200x32xf32, #tpu.memory_space<vmem>>
      %dma_wait3A_345 = tpu.memref_squeeze %dma_wait3A_344 : memref<1x200x32xf32, #tpu.memory_space<vmem>> -> memref<200x32xf32, #tpu.memory_space<vmem>>
      %dma_wait3A_346 = arith.constant 0 : i32
      %dma_wait3A_347 = arith.constant 0 : i32
      %dma_wait3A_348 = tpu.memref_slice %dma_wait3A_345[%dma_wait3A_346, %dma_wait3A_347] : memref<200x32xf32, #tpu.memory_space<vmem>> -> memref<128x32xf32, #tpu.memory_space<vmem>>
      %dma_wait3A_349 = tpu.memref_slice %arg6[%multiple_of3A_335] : memref<25600xi32, #tpu.memory_space<vmem>> -> memref<128xi32, #tpu.memory_space<vmem>>
      %dma_wait3A_350 = arith.constant 0 : i32
      %dma_wait3A_351 = arith.constant 0 : i32
      %dma_wait3A_352 = tpu.memref_slice %arg2[%dma_wait3A_350, %dma_wait3A_351] : memref<1015808x32xf32, #tpu.memory_space<hbm>> -> memref<1015808x32xf32, #tpu.memory_space<hbm>>
      tpu.wait_indirect_dma semaphore(%arg11 : memref<!tpu.dma_semaphore, #tpu.memory_space<semaphore_mem>>) src(%dma_wait3A_352 : memref<1015808x32xf32, #tpu.memory_space<hbm>>) dst(%dma_wait3A_348 : memref<128x32xf32, #tpu.memory_space<vmem>>)
      %dma_wait3A_353 = arith.constant 1 : i32
      %dma_wait3A_354 = arith.constant 0 : i32
      %dma_wait3A_355 = arith.constant 0 : i32
      %dma_wait3A_356 = tpu.memref_slice %arg8[%dma_wait3A_353, %dma_wait3A_354, %dma_wait3A_355] : memref<4x200x32xf32, #tpu.memory_space<vmem>> -> memref<1x200x32xf32, #tpu.memory_space<vmem>>
      %dma_wait3A_357 = tpu.memref_squeeze %dma_wait3A_356 : memref<1x200x32xf32, #tpu.memory_space<vmem>> -> memref<200x32xf32, #tpu.memory_space<vmem>>
      %dma_wait3A_358 = arith.constant 128 : i32
      %dma_wait3A_359 = arith.constant 0 : i32
      %dma_wait3A_360 = tpu.memref_slice %dma_wait3A_357[%dma_wait3A_358, %dma_wait3A_359] : memref<200x32xf32, #tpu.memory_space<vmem>> -> memref<72x32xf32, #tpu.memory_space<vmem>>
      %dma_wait3A_361 = tpu.memref_slice %arg6[%multiple_of3A_340] : memref<25600xi32, #tpu.memory_space<vmem>> -> memref<72xi32, #tpu.memory_space<vmem>>
      %dma_wait3A_362 = arith.constant 0 : i32
      %dma_wait3A_363 = arith.constant 0 : i32
      %dma_wait3A_364 = tpu.memref_slice %arg2[%dma_wait3A_362, %dma_wait3A_363] : memref<1015808x32xf32, #tpu.memory_space<hbm>> -> memref<1015808x32xf32, #tpu.memory_space<hbm>>
      tpu.wait_indirect_dma semaphore(%arg11 : memref<!tpu.dma_semaphore, #tpu.memory_space<semaphore_mem>>) src(%dma_wait3A_364 : memref<1015808x32xf32, #tpu.memory_space<hbm>>) dst(%dma_wait3A_360 : memref<72x32xf32, #tpu.memory_space<vmem>>)
      %broadcast_in_dim3A_365 = arith.constant 0.000000e+00 : f32
      %broadcast_in_dim3A_366 = vector.broadcast %broadcast_in_dim3A_365 : f32 to vector<16xf32>
      %scan3A_367 = arith.constant 0 : i32
      %scan3A_368 = arith.constant 25 : i32
      %scan3A_369 = arith.addi %scan3A_367, %scan3A_368 : i32
      %scan3A_370 = arith.constant 1 : i32
      %scan3A_371:2 = scf.for %scan3A_629 = %scan3A_367 to %scan3A_369 step %scan3A_370 iter_args(%scan3A_630 = %broadcast_in_dim3A_366, %scan3A_631 = %broadcast_in_dim3A_366) -> (vector<16xf32>, vector<16xf32>)  : i32 {
        %mul3A_632 = arith.constant 8 : i32
        %mul3A_633 = arith.muli %scan3A_629, %mul3A_632 : i32
        %add3A_634 = arith.constant 0 : i32
        %add3A_635 = arith.addi %mul3A_633, %add3A_634 : i32
        %get3A_636 = arith.constant 1 : i32
        %get3A_637 = arith.index_cast %get3A_636 : i32 to index
        %get3A_638 = arith.index_cast %add3A_635 : i32 to index
        %get3A_639 = arith.constant 0 : index
        %get3A_640 = tpu.vector_load %arg8[%get3A_637, %get3A_638, %get3A_639] {strides = array<i32>} : memref<4x200x32xf32, #tpu.memory_space<vmem>>, vector<1x1x16xf32>,
        %get3A_641 = vector.shape_cast %get3A_640 : vector<1x1x16xf32> to vector<16xf32>
        %add3A_642 = arith.addf %scan3A_630, %get3A_641 : vector<16xf32>
        %get3A_643 = arith.constant 1 : i32
        %get3A_644 = arith.index_cast %get3A_643 : i32 to index
        %get3A_645 = arith.index_cast %add3A_635 : i32 to index
        %get3A_646 = arith.constant 16 : index
        %get3A_647 = tpu.vector_load %arg8[%get3A_644, %get3A_645, %get3A_646] {strides = array<i32>} : memref<4x200x32xf32, #tpu.memory_space<vmem>>, vector<1x1x16xf32>,
        %get3A_648 = vector.shape_cast %get3A_647 : vector<1x1x16xf32> to vector<16xf32>
        %add3A_649 = arith.addf %scan3A_631, %get3A_648 : vector<16xf32>
        %mul3A_650 = arith.constant 8 : i32
        %mul3A_651 = arith.muli %scan3A_629, %mul3A_650 : i32
        %add3A_652 = arith.constant 1 : i32
        %add3A_653 = arith.addi %mul3A_651, %add3A_652 : i32
        %get3A_654 = arith.constant 1 : i32
        %get3A_655 = arith.index_cast %get3A_654 : i32 to index
        %get3A_656 = arith.index_cast %add3A_653 : i32 to index
        %get3A_657 = arith.constant 0 : index
        %get3A_658 = tpu.vector_load %arg8[%get3A_655, %get3A_656, %get3A_657] {strides = array<i32>} : memref<4x200x32xf32, #tpu.memory_space<vmem>>, vector<1x1x16xf32>,
        %get3A_659 = vector.shape_cast %get3A_658 : vector<1x1x16xf32> to vector<16xf32>
        %add3A_660 = arith.addf %add3A_642, %get3A_659 : vector<16xf32>
        %get3A_661 = arith.constant 1 : i32
        %get3A_662 = arith.index_cast %get3A_661 : i32 to index
        %get3A_663 = arith.index_cast %add3A_653 : i32 to index
        %get3A_664 = arith.constant 16 : index
        %get3A_665 = tpu.vector_load %arg8[%get3A_662, %get3A_663, %get3A_664] {strides = array<i32>} : memref<4x200x32xf32, #tpu.memory_space<vmem>>, vector<1x1x16xf32>,
        %get3A_666 = vector.shape_cast %get3A_665 : vector<1x1x16xf32> to vector<16xf32>
        %add3A_667 = arith.addf %add3A_649, %get3A_666 : vector<16xf32>
        %mul3A_668 = arith.constant 8 : i32
        %mul3A_669 = arith.muli %scan3A_629, %mul3A_668 : i32
        %add3A_670 = arith.constant 2 : i32
        %add3A_671 = arith.addi %mul3A_669, %add3A_670 : i32
        %get3A_672 = arith.constant 1 : i32
        %get3A_673 = arith.index_cast %get3A_672 : i32 to index
        %get3A_674 = arith.index_cast %add3A_671 : i32 to index
        %get3A_675 = arith.constant 0 : index
        %get3A_676 = tpu.vector_load %arg8[%get3A_673, %get3A_674, %get3A_675] {strides = array<i32>} : memref<4x200x32xf32, #tpu.memory_space<vmem>>, vector<1x1x16xf32>,
        %get3A_677 = vector.shape_cast %get3A_676 : vector<1x1x16xf32> to vector<16xf32>
        %add3A_678 = arith.addf %add3A_660, %get3A_677 : vector<16xf32>
        %get3A_679 = arith.constant 1 : i32
        %get3A_680 = arith.index_cast %get3A_679 : i32 to index
        %get3A_681 = arith.index_cast %add3A_671 : i32 to index
        %get3A_682 = arith.constant 16 : index
        %get3A_683 = tpu.vector_load %arg8[%get3A_680, %get3A_681, %get3A_682] {strides = array<i32>} : memref<4x200x32xf32, #tpu.memory_space<vmem>>, vector<1x1x16xf32>,
        %get3A_684 = vector.shape_cast %get3A_683 : vector<1x1x16xf32> to vector<16xf32>
        %add3A_685 = arith.addf %add3A_667, %get3A_684 : vector<16xf32>
        %mul3A_686 = arith.constant 8 : i32
        %mul3A_687 = arith.muli %scan3A_629, %mul3A_686 : i32
        %add3A_688 = arith.constant 3 : i32
        %add3A_689 = arith.addi %mul3A_687, %add3A_688 : i32
        %get3A_690 = arith.constant 1 : i32
        %get3A_691 = arith.index_cast %get3A_690 : i32 to index
        %get3A_692 = arith.index_cast %add3A_689 : i32 to index
        %get3A_693 = arith.constant 0 : index
        %get3A_694 = tpu.vector_load %arg8[%get3A_691, %get3A_692, %get3A_693] {strides = array<i32>} : memref<4x200x32xf32, #tpu.memory_space<vmem>>, vector<1x1x16xf32>,
        %get3A_695 = vector.shape_cast %get3A_694 : vector<1x1x16xf32> to vector<16xf32>
        %add3A_696 = arith.addf %add3A_678, %get3A_695 : vector<16xf32>
        %get3A_697 = arith.constant 1 : i32
        %get3A_698 = arith.index_cast %get3A_697 : i32 to index
        %get3A_699 = arith.index_cast %add3A_689 : i32 to index
        %get3A_700 = arith.constant 16 : index
        %get3A_701 = tpu.vector_load %arg8[%get3A_698, %get3A_699, %get3A_700] {strides = array<i32>} : memref<4x200x32xf32, #tpu.memory_space<vmem>>, vector<1x1x16xf32>,
        %get3A_702 = vector.shape_cast %get3A_701 : vector<1x1x16xf32> to vector<16xf32>
        %add3A_703 = arith.addf %add3A_685, %get3A_702 : vector<16xf32>
        %mul3A_704 = arith.constant 8 : i32
        %mul3A_705 = arith.muli %scan3A_629, %mul3A_704 : i32
        %add3A_706 = arith.constant 4 : i32
        %add3A_707 = arith.addi %mul3A_705, %add3A_706 : i32
        %get3A_708 = arith.constant 1 : i32
        %get3A_709 = arith.index_cast %get3A_708 : i32 to index
        %get3A_710 = arith.index_cast %add3A_707 : i32 to index
        %get3A_711 = arith.constant 0 : index
        %get3A_712 = tpu.vector_load %arg8[%get3A_709, %get3A_710, %get3A_711] {strides = array<i32>} : memref<4x200x32xf32, #tpu.memory_space<vmem>>, vector<1x1x16xf32>,
        %get3A_713 = vector.shape_cast %get3A_712 : vector<1x1x16xf32> to vector<16xf32>
        %add3A_714 = arith.addf %add3A_696, %get3A_713 : vector<16xf32>
        %get3A_715 = arith.constant 1 : i32
        %get3A_716 = arith.index_cast %get3A_715 : i32 to index
        %get3A_717 = arith.index_cast %add3A_707 : i32 to index
        %get3A_718 = arith.constant 16 : index
        %get3A_719 = tpu.vector_load %arg8[%get3A_716, %get3A_717, %get3A_718] {strides = array<i32>} : memref<4x200x32xf32, #tpu.memory_space<vmem>>, vector<1x1x16xf32>,
        %get3A_720 = vector.shape_cast %get3A_719 : vector<1x1x16xf32> to vector<16xf32>
        %add3A_721 = arith.addf %add3A_703, %get3A_720 : vector<16xf32>
        %mul3A_722 = arith.constant 8 : i32
        %mul3A_723 = arith.muli %scan3A_629, %mul3A_722 : i32
        %add3A_724 = arith.constant 5 : i32
        %add3A_725 = arith.addi %mul3A_723, %add3A_724 : i32
        %get3A_726 = arith.constant 1 : i32
        %get3A_727 = arith.index_cast %get3A_726 : i32 to index
        %get3A_728 = arith.index_cast %add3A_725 : i32 to index
        %get3A_729 = arith.constant 0 : index
        %get3A_730 = tpu.vector_load %arg8[%get3A_727, %get3A_728, %get3A_729] {strides = array<i32>} : memref<4x200x32xf32, #tpu.memory_space<vmem>>, vector<1x1x16xf32>,
        %get3A_731 = vector.shape_cast %get3A_730 : vector<1x1x16xf32> to vector<16xf32>
        %add3A_732 = arith.addf %add3A_714, %get3A_731 : vector<16xf32>
        %get3A_733 = arith.constant 1 : i32
        %get3A_734 = arith.index_cast %get3A_733 : i32 to index
        %get3A_735 = arith.index_cast %add3A_725 : i32 to index
        %get3A_736 = arith.constant 16 : index
        %get3A_737 = tpu.vector_load %arg8[%get3A_734, %get3A_735, %get3A_736] {strides = array<i32>} : memref<4x200x32xf32, #tpu.memory_space<vmem>>, vector<1x1x16xf32>,
        %get3A_738 = vector.shape_cast %get3A_737 : vector<1x1x16xf32> to vector<16xf32>
        %add3A_739 = arith.addf %add3A_721, %get3A_738 : vector<16xf32>
        %mul3A_740 = arith.constant 8 : i32
        %mul3A_741 = arith.muli %scan3A_629, %mul3A_740 : i32
        %add3A_742 = arith.constant 6 : i32
        %add3A_743 = arith.addi %mul3A_741, %add3A_742 : i32
        %get3A_744 = arith.constant 1 : i32
        %get3A_745 = arith.index_cast %get3A_744 : i32 to index
        %get3A_746 = arith.index_cast %add3A_743 : i32 to index
        %get3A_747 = arith.constant 0 : index
        %get3A_748 = tpu.vector_load %arg8[%get3A_745, %get3A_746, %get3A_747] {strides = array<i32>} : memref<4x200x32xf32, #tpu.memory_space<vmem>>, vector<1x1x16xf32>,
        %get3A_749 = vector.shape_cast %get3A_748 : vector<1x1x16xf32> to vector<16xf32>
        %add3A_750 = arith.addf %add3A_732, %get3A_749 : vector<16xf32>
        %get3A_751 = arith.constant 1 : i32
        %get3A_752 = arith.index_cast %get3A_751 : i32 to index
        %get3A_753 = arith.index_cast %add3A_743 : i32 to index
        %get3A_754 = arith.constant 16 : index
        %get3A_755 = tpu.vector_load %arg8[%get3A_752, %get3A_753, %get3A_754] {strides = array<i32>} : memref<4x200x32xf32, #tpu.memory_space<vmem>>, vector<1x1x16xf32>,
        %get3A_756 = vector.shape_cast %get3A_755 : vector<1x1x16xf32> to vector<16xf32>
        %add3A_757 = arith.addf %add3A_739, %get3A_756 : vector<16xf32>
        %mul3A_758 = arith.constant 8 : i32
        %mul3A_759 = arith.muli %scan3A_629, %mul3A_758 : i32
        %add3A_760 = arith.constant 7 : i32
        %add3A_761 = arith.addi %mul3A_759, %add3A_760 : i32
        %get3A_762 = arith.constant 1 : i32
        %get3A_763 = arith.index_cast %get3A_762 : i32 to index
        %get3A_764 = arith.index_cast %add3A_761 : i32 to index
        %get3A_765 = arith.constant 0 : index
        %get3A_766 = tpu.vector_load %arg8[%get3A_763, %get3A_764, %get3A_765] {strides = array<i32>} : memref<4x200x32xf32, #tpu.memory_space<vmem>>, vector<1x1x16xf32>,
        %get3A_767 = vector.shape_cast %get3A_766 : vector<1x1x16xf32> to vector<16xf32>
        %add3A_768 = arith.addf %add3A_750, %get3A_767 : vector<16xf32>
        %get3A_769 = arith.constant 1 : i32
        %get3A_770 = arith.index_cast %get3A_769 : i32 to index
        %get3A_771 = arith.index_cast %add3A_761 : i32 to index
        %get3A_772 = arith.constant 16 : index
        %get3A_773 = tpu.vector_load %arg8[%get3A_770, %get3A_771, %get3A_772] {strides = array<i32>} : memref<4x200x32xf32, #tpu.memory_space<vmem>>, vector<1x1x16xf32>,
        %get3A_774 = vector.shape_cast %get3A_773 : vector<1x1x16xf32> to vector<16xf32>
        %add3A_775 = arith.addf %add3A_757, %get3A_774 : vector<16xf32>
        scf.yield %add3A_768, %add3A_775 : vector<16xf32>, vector<16xf32>
      }
      %scan3A_372 = arith.constant 25 : i32
      %get3A_373 = arith.index_cast %add3A_332 : i32 to index
      %get3A_374 = arith.constant 0 : index
      %get3A_375 = tpu.vector_load %arg7[%get3A_373, %get3A_374] {strides = array<i32>} : memref<128x32xf32, #tpu.memory_space<vmem>>, vector<1x16xf32>,
      %get3A_376 = vector.shape_cast %get3A_375 : vector<1x16xf32> to vector<16xf32>
      %div3A_377 = arith.divf %scan3A_371#0, %get3A_376 : vector<16xf32>
      %swap3A_378 = arith.index_cast %add3A_332 : i32 to index
      %swap3A_379 = arith.constant 0 : index
      %swap3A_380 = tpu.vector_load %arg9[%swap3A_378, %swap3A_379] {strides = array<i32>} : memref<128x32xf32, #tpu.memory_space<vmem>>, vector<1x16xf32>,
      %swap3A_381 = vector.shape_cast %swap3A_380 : vector<1x16xf32> to vector<16xf32>
      %swap3A_382 = vector.shape_cast %div3A_377 : vector<16xf32> to vector<1x16xf32>
      tpu.vector_store %arg9[%swap3A_378, %swap3A_379], %swap3A_382 {strides = array<i32>} : memref<128x32xf32, #tpu.memory_space<vmem>>, vector<1x16xf32>,
      %get3A_383 = arith.index_cast %add3A_332 : i32 to index
      %get3A_384 = arith.constant 16 : index
      %get3A_385 = tpu.vector_load %arg7[%get3A_383, %get3A_384] {strides = array<i32>} : memref<128x32xf32, #tpu.memory_space<vmem>>, vector<1x16xf32>,
      %get3A_386 = vector.shape_cast %get3A_385 : vector<1x16xf32> to vector<16xf32>
      %div3A_387 = arith.divf %scan3A_371#1, %get3A_386 : vector<16xf32>
      %swap3A_388 = arith.index_cast %add3A_332 : i32 to index
      %swap3A_389 = arith.constant 16 : index
      %swap3A_390 = tpu.vector_load %arg9[%swap3A_388, %swap3A_389] {strides = array<i32>} : memref<128x32xf32, #tpu.memory_space<vmem>>, vector<1x16xf32>,
      %swap3A_391 = vector.shape_cast %swap3A_390 : vector<1x16xf32> to vector<16xf32>
      %swap3A_392 = vector.shape_cast %div3A_387 : vector<16xf32> to vector<1x16xf32>
      tpu.vector_store %arg9[%swap3A_388, %swap3A_389], %swap3A_392 {strides = array<i32>} : memref<128x32xf32, #tpu.memory_space<vmem>>, vector<1x16xf32>,
      %add3A_393 = arith.constant 4 : i32
      %add3A_394 = arith.addi %add3A_332, %add3A_393 : i32
      %min3A_395 = arith.constant 127 : i32
      %min3A_396 = arith.minsi %add3A_394, %min3A_395 : i32
      %mul3A_397 = arith.constant 200 : i32
      %mul3A_398 = arith.muli %min3A_396, %mul3A_397 : i32
      %multiple_of3A_399 = tpu.assume_multiple %mul3A_398, 8 : i32
      %mul3A_400 = arith.constant 200 : i32
      %mul3A_401 = arith.muli %min3A_396, %mul3A_400 : i32
      %add3A_402 = arith.constant 128 : i32
      %add3A_403 = arith.addi %mul3A_401, %add3A_402 : i32
      %multiple_of3A_404 = tpu.assume_multiple %add3A_403, 8 : i32
      %dma_start3A_405 = arith.constant 1 : i32
      %dma_start3A_406 = arith.constant 0 : i32
      %dma_start3A_407 = arith.constant 0 : i32
      %dma_start3A_408 = tpu.memref_slice %arg8[%dma_start3A_405, %dma_start3A_406, %dma_start3A_407] : memref<4x200x32xf32, #tpu.memory_space<vmem>> -> memref<1x200x32xf32, #tpu.memory_space<vmem>>
      %dma_start3A_409 = tpu.memref_squeeze %dma_start3A_408 : memref<1x200x32xf32, #tpu.memory_space<vmem>> -> memref<200x32xf32, #tpu.memory_space<vmem>>
      %dma_start3A_410 = arith.constant 0 : i32
      %dma_start3A_411 = arith.constant 0 : i32
      %dma_start3A_412 = tpu.memref_slice %dma_start3A_409[%dma_start3A_410, %dma_start3A_411] : memref<200x32xf32, #tpu.memory_space<vmem>> -> memref<128x32xf32, #tpu.memory_space<vmem>>
      %dma_start3A_413 = tpu.memref_slice %arg6[%multiple_of3A_399] : memref<25600xi32, #tpu.memory_space<vmem>> -> memref<128xi32, #tpu.memory_space<vmem>>
      %dma_start3A_414 = arith.constant 0 : i32
      %dma_start3A_415 = arith.constant 0 : i32
      %dma_start3A_416 = tpu.memref_slice %arg2[%dma_start3A_414, %dma_start3A_415] : memref<1015808x32xf32, #tpu.memory_space<hbm>> -> memref<1015808x32xf32, #tpu.memory_space<hbm>>
      tpu.enqueue_indirect_dma source(%dma_start3A_416 : memref<1015808x32xf32, #tpu.memory_space<hbm>>) target(%dma_start3A_412 : memref<128x32xf32, #tpu.memory_space<vmem>>) offsets(%dma_start3A_413 : memref<128xi32, #tpu.memory_space<vmem>>) semaphore(%arg11 : memref<!tpu.dma_semaphore, #tpu.memory_space<semaphore_mem>>)
      %dma_start3A_417 = arith.constant 1 : i32
      %dma_start3A_418 = arith.constant 0 : i32
      %dma_start3A_419 = arith.constant 0 : i32
      %dma_start3A_420 = tpu.memref_slice %arg8[%dma_start3A_417, %dma_start3A_418, %dma_start3A_419] : memref<4x200x32xf32, #tpu.memory_space<vmem>> -> memref<1x200x32xf32, #tpu.memory_space<vmem>>
      %dma_start3A_421 = tpu.memref_squeeze %dma_start3A_420 : memref<1x200x32xf32, #tpu.memory_space<vmem>> -> memref<200x32xf32, #tpu.memory_space<vmem>>
      %dma_start3A_422 = arith.constant 128 : i32
      %dma_start3A_423 = arith.constant 0 : i32
      %dma_start3A_424 = tpu.memref_slice %dma_start3A_421[%dma_start3A_422, %dma_start3A_423] : memref<200x32xf32, #tpu.memory_space<vmem>> -> memref<72x32xf32, #tpu.memory_space<vmem>>
      %dma_start3A_425 = tpu.memref_slice %arg6[%multiple_of3A_404] : memref<25600xi32, #tpu.memory_space<vmem>> -> memref<72xi32, #tpu.memory_space<vmem>>
      %dma_start3A_426 = arith.constant 0 : i32
      %dma_start3A_427 = arith.constant 0 : i32
      %dma_start3A_428 = tpu.memref_slice %arg2[%dma_start3A_426, %dma_start3A_427] : memref<1015808x32xf32, #tpu.memory_space<hbm>> -> memref<1015808x32xf32, #tpu.memory_space<hbm>>
      tpu.enqueue_indirect_dma source(%dma_start3A_428 : memref<1015808x32xf32, #tpu.memory_space<hbm>>) target(%dma_start3A_424 : memref<72x32xf32, #tpu.memory_space<vmem>>) offsets(%dma_start3A_425 : memref<72xi32, #tpu.memory_space<vmem>>) semaphore(%arg11 : memref<!tpu.dma_semaphore, #tpu.memory_space<semaphore_mem>>)
      %mul3A_429 = arith.constant 4 : i32
      %mul3A_430 = arith.muli %scan3A_233, %mul3A_429 : i32
      %add3A_431 = arith.constant 2 : i32
      %add3A_432 = arith.addi %mul3A_430, %add3A_431 : i32
      %mul3A_433 = arith.constant 200 : i32
      %mul3A_434 = arith.muli %add3A_432, %mul3A_433 : i32
      %multiple_of3A_435 = tpu.assume_multiple %mul3A_434, 8 : i32
      %mul3A_436 = arith.constant 200 : i32
      %mul3A_437 = arith.muli %add3A_432, %mul3A_436 : i32
      %add3A_438 = arith.constant 128 : i32
      %add3A_439 = arith.addi %mul3A_437, %add3A_438 : i32
      %multiple_of3A_440 = tpu.assume_multiple %add3A_439, 8 : i32
      %dma_wait3A_441 = arith.constant 2 : i32
      %dma_wait3A_442 = arith.constant 0 : i32
      %dma_wait3A_443 = arith.constant 0 : i32
      %dma_wait3A_444 = tpu.memref_slice %arg8[%dma_wait3A_441, %dma_wait3A_442, %dma_wait3A_443] : memref<4x200x32xf32, #tpu.memory_space<vmem>> -> memref<1x200x32xf32, #tpu.memory_space<vmem>>
      %dma_wait3A_445 = tpu.memref_squeeze %dma_wait3A_444 : memref<1x200x32xf32, #tpu.memory_space<vmem>> -> memref<200x32xf32, #tpu.memory_space<vmem>>
      %dma_wait3A_446 = arith.constant 0 : i32
      %dma_wait3A_447 = arith.constant 0 : i32
      %dma_wait3A_448 = tpu.memref_slice %dma_wait3A_445[%dma_wait3A_446, %dma_wait3A_447] : memref<200x32xf32, #tpu.memory_space<vmem>> -> memref<128x32xf32, #tpu.memory_space<vmem>>
      %dma_wait3A_449 = tpu.memref_slice %arg6[%multiple_of3A_435] : memref<25600xi32, #tpu.memory_space<vmem>> -> memref<128xi32, #tpu.memory_space<vmem>>
      %dma_wait3A_450 = arith.constant 0 : i32
      %dma_wait3A_451 = arith.constant 0 : i32
      %dma_wait3A_452 = tpu.memref_slice %arg2[%dma_wait3A_450, %dma_wait3A_451] : memref<1015808x32xf32, #tpu.memory_space<hbm>> -> memref<1015808x32xf32, #tpu.memory_space<hbm>>
      tpu.wait_indirect_dma semaphore(%arg12 : memref<!tpu.dma_semaphore, #tpu.memory_space<semaphore_mem>>) src(%dma_wait3A_452 : memref<1015808x32xf32, #tpu.memory_space<hbm>>) dst(%dma_wait3A_448 : memref<128x32xf32, #tpu.memory_space<vmem>>)
      %dma_wait3A_453 = arith.constant 2 : i32
      %dma_wait3A_454 = arith.constant 0 : i32
      %dma_wait3A_455 = arith.constant 0 : i32
      %dma_wait3A_456 = tpu.memref_slice %arg8[%dma_wait3A_453, %dma_wait3A_454, %dma_wait3A_455] : memref<4x200x32xf32, #tpu.memory_space<vmem>> -> memref<1x200x32xf32, #tpu.memory_space<vmem>>
      %dma_wait3A_457 = tpu.memref_squeeze %dma_wait3A_456 : memref<1x200x32xf32, #tpu.memory_space<vmem>> -> memref<200x32xf32, #tpu.memory_space<vmem>>
      %dma_wait3A_458 = arith.constant 128 : i32
      %dma_wait3A_459 = arith.constant 0 : i32
      %dma_wait3A_460 = tpu.memref_slice %dma_wait3A_457[%dma_wait3A_458, %dma_wait3A_459] : memref<200x32xf32, #tpu.memory_space<vmem>> -> memref<72x32xf32, #tpu.memory_space<vmem>>
      %dma_wait3A_461 = tpu.memref_slice %arg6[%multiple_of3A_440] : memref<25600xi32, #tpu.memory_space<vmem>> -> memref<72xi32, #tpu.memory_space<vmem>>
      %dma_wait3A_462 = arith.constant 0 : i32
      %dma_wait3A_463 = arith.constant 0 : i32
      %dma_wait3A_464 = tpu.memref_slice %arg2[%dma_wait3A_462, %dma_wait3A_463] : memref<1015808x32xf32, #tpu.memory_space<hbm>> -> memref<1015808x32xf32, #tpu.memory_space<hbm>>
      tpu.wait_indirect_dma semaphore(%arg12 : memref<!tpu.dma_semaphore, #tpu.memory_space<semaphore_mem>>) src(%dma_wait3A_464 : memref<1015808x32xf32, #tpu.memory_space<hbm>>) dst(%dma_wait3A_460 : memref<72x32xf32, #tpu.memory_space<vmem>>)
      %broadcast_in_dim3A_465 = arith.constant 0.000000e+00 : f32
      %broadcast_in_dim3A_466 = vector.broadcast %broadcast_in_dim3A_465 : f32 to vector<16xf32>
      %scan3A_467 = arith.constant 0 : i32
      %scan3A_468 = arith.constant 25 : i32
      %scan3A_469 = arith.addi %scan3A_467, %scan3A_468 : i32
      %scan3A_470 = arith.constant 1 : i32
      %scan3A_471:2 = scf.for %scan3A_629 = %scan3A_467 to %scan3A_469 step %scan3A_470 iter_args(%scan3A_630 = %broadcast_in_dim3A_466, %scan3A_631 = %broadcast_in_dim3A_466) -> (vector<16xf32>, vector<16xf32>)  : i32 {
        %mul3A_632 = arith.constant 8 : i32
        %mul3A_633 = arith.muli %scan3A_629, %mul3A_632 : i32
        %add3A_634 = arith.constant 0 : i32
        %add3A_635 = arith.addi %mul3A_633, %add3A_634 : i32
        %get3A_636 = arith.constant 2 : i32
        %get3A_637 = arith.index_cast %get3A_636 : i32 to index
        %get3A_638 = arith.index_cast %add3A_635 : i32 to index
        %get3A_639 = arith.constant 0 : index
        %get3A_640 = tpu.vector_load %arg8[%get3A_637, %get3A_638, %get3A_639] {strides = array<i32>} : memref<4x200x32xf32, #tpu.memory_space<vmem>>, vector<1x1x16xf32>,
        %get3A_641 = vector.shape_cast %get3A_640 : vector<1x1x16xf32> to vector<16xf32>
        %add3A_642 = arith.addf %scan3A_630, %get3A_641 : vector<16xf32>
        %get3A_643 = arith.constant 2 : i32
        %get3A_644 = arith.index_cast %get3A_643 : i32 to index
        %get3A_645 = arith.index_cast %add3A_635 : i32 to index
        %get3A_646 = arith.constant 16 : index
        %get3A_647 = tpu.vector_load %arg8[%get3A_644, %get3A_645, %get3A_646] {strides = array<i32>} : memref<4x200x32xf32, #tpu.memory_space<vmem>>, vector<1x1x16xf32>,
        %get3A_648 = vector.shape_cast %get3A_647 : vector<1x1x16xf32> to vector<16xf32>
        %add3A_649 = arith.addf %scan3A_631, %get3A_648 : vector<16xf32>
        %mul3A_650 = arith.constant 8 : i32
        %mul3A_651 = arith.muli %scan3A_629, %mul3A_650 : i32
        %add3A_652 = arith.constant 1 : i32
        %add3A_653 = arith.addi %mul3A_651, %add3A_652 : i32
        %get3A_654 = arith.constant 2 : i32
        %get3A_655 = arith.index_cast %get3A_654 : i32 to index
        %get3A_656 = arith.index_cast %add3A_653 : i32 to index
        %get3A_657 = arith.constant 0 : index
        %get3A_658 = tpu.vector_load %arg8[%get3A_655, %get3A_656, %get3A_657] {strides = array<i32>} : memref<4x200x32xf32, #tpu.memory_space<vmem>>, vector<1x1x16xf32>,
        %get3A_659 = vector.shape_cast %get3A_658 : vector<1x1x16xf32> to vector<16xf32>
        %add3A_660 = arith.addf %add3A_642, %get3A_659 : vector<16xf32>
        %get3A_661 = arith.constant 2 : i32
        %get3A_662 = arith.index_cast %get3A_661 : i32 to index
        %get3A_663 = arith.index_cast %add3A_653 : i32 to index
        %get3A_664 = arith.constant 16 : index
        %get3A_665 = tpu.vector_load %arg8[%get3A_662, %get3A_663, %get3A_664] {strides = array<i32>} : memref<4x200x32xf32, #tpu.memory_space<vmem>>, vector<1x1x16xf32>,
        %get3A_666 = vector.shape_cast %get3A_665 : vector<1x1x16xf32> to vector<16xf32>
        %add3A_667 = arith.addf %add3A_649, %get3A_666 : vector<16xf32>
        %mul3A_668 = arith.constant 8 : i32
        %mul3A_669 = arith.muli %scan3A_629, %mul3A_668 : i32
        %add3A_670 = arith.constant 2 : i32
        %add3A_671 = arith.addi %mul3A_669, %add3A_670 : i32
        %get3A_672 = arith.constant 2 : i32
        %get3A_673 = arith.index_cast %get3A_672 : i32 to index
        %get3A_674 = arith.index_cast %add3A_671 : i32 to index
        %get3A_675 = arith.constant 0 : index
        %get3A_676 = tpu.vector_load %arg8[%get3A_673, %get3A_674, %get3A_675] {strides = array<i32>} : memref<4x200x32xf32, #tpu.memory_space<vmem>>, vector<1x1x16xf32>,
        %get3A_677 = vector.shape_cast %get3A_676 : vector<1x1x16xf32> to vector<16xf32>
        %add3A_678 = arith.addf %add3A_660, %get3A_677 : vector<16xf32>
        %get3A_679 = arith.constant 2 : i32
        %get3A_680 = arith.index_cast %get3A_679 : i32 to index
        %get3A_681 = arith.index_cast %add3A_671 : i32 to index
        %get3A_682 = arith.constant 16 : index
        %get3A_683 = tpu.vector_load %arg8[%get3A_680, %get3A_681, %get3A_682] {strides = array<i32>} : memref<4x200x32xf32, #tpu.memory_space<vmem>>, vector<1x1x16xf32>,
        %get3A_684 = vector.shape_cast %get3A_683 : vector<1x1x16xf32> to vector<16xf32>
        %add3A_685 = arith.addf %add3A_667, %get3A_684 : vector<16xf32>
        %mul3A_686 = arith.constant 8 : i32
        %mul3A_687 = arith.muli %scan3A_629, %mul3A_686 : i32
        %add3A_688 = arith.constant 3 : i32
        %add3A_689 = arith.addi %mul3A_687, %add3A_688 : i32
        %get3A_690 = arith.constant 2 : i32
        %get3A_691 = arith.index_cast %get3A_690 : i32 to index
        %get3A_692 = arith.index_cast %add3A_689 : i32 to index
        %get3A_693 = arith.constant 0 : index
        %get3A_694 = tpu.vector_load %arg8[%get3A_691, %get3A_692, %get3A_693] {strides = array<i32>} : memref<4x200x32xf32, #tpu.memory_space<vmem>>, vector<1x1x16xf32>,
        %get3A_695 = vector.shape_cast %get3A_694 : vector<1x1x16xf32> to vector<16xf32>
        %add3A_696 = arith.addf %add3A_678, %get3A_695 : vector<16xf32>
        %get3A_697 = arith.constant 2 : i32
        %get3A_698 = arith.index_cast %get3A_697 : i32 to index
        %get3A_699 = arith.index_cast %add3A_689 : i32 to index
        %get3A_700 = arith.constant 16 : index
        %get3A_701 = tpu.vector_load %arg8[%get3A_698, %get3A_699, %get3A_700] {strides = array<i32>} : memref<4x200x32xf32, #tpu.memory_space<vmem>>, vector<1x1x16xf32>,
        %get3A_702 = vector.shape_cast %get3A_701 : vector<1x1x16xf32> to vector<16xf32>
        %add3A_703 = arith.addf %add3A_685, %get3A_702 : vector<16xf32>
        %mul3A_704 = arith.constant 8 : i32
        %mul3A_705 = arith.muli %scan3A_629, %mul3A_704 : i32
        %add3A_706 = arith.constant 4 : i32
        %add3A_707 = arith.addi %mul3A_705, %add3A_706 : i32
        %get3A_708 = arith.constant 2 : i32
        %get3A_709 = arith.index_cast %get3A_708 : i32 to index
        %get3A_710 = arith.index_cast %add3A_707 : i32 to index
        %get3A_711 = arith.constant 0 : index
        %get3A_712 = tpu.vector_load %arg8[%get3A_709, %get3A_710, %get3A_711] {strides = array<i32>} : memref<4x200x32xf32, #tpu.memory_space<vmem>>, vector<1x1x16xf32>,
        %get3A_713 = vector.shape_cast %get3A_712 : vector<1x1x16xf32> to vector<16xf32>
        %add3A_714 = arith.addf %add3A_696, %get3A_713 : vector<16xf32>
        %get3A_715 = arith.constant 2 : i32
        %get3A_716 = arith.index_cast %get3A_715 : i32 to index
        %get3A_717 = arith.index_cast %add3A_707 : i32 to index
        %get3A_718 = arith.constant 16 : index
        %get3A_719 = tpu.vector_load %arg8[%get3A_716, %get3A_717, %get3A_718] {strides = array<i32>} : memref<4x200x32xf32, #tpu.memory_space<vmem>>, vector<1x1x16xf32>,
        %get3A_720 = vector.shape_cast %get3A_719 : vector<1x1x16xf32> to vector<16xf32>
        %add3A_721 = arith.addf %add3A_703, %get3A_720 : vector<16xf32>
        %mul3A_722 = arith.constant 8 : i32
        %mul3A_723 = arith.muli %scan3A_629, %mul3A_722 : i32
        %add3A_724 = arith.constant 5 : i32
        %add3A_725 = arith.addi %mul3A_723, %add3A_724 : i32
        %get3A_726 = arith.constant 2 : i32
        %get3A_727 = arith.index_cast %get3A_726 : i32 to index
        %get3A_728 = arith.index_cast %add3A_725 : i32 to index
        %get3A_729 = arith.constant 0 : index
        %get3A_730 = tpu.vector_load %arg8[%get3A_727, %get3A_728, %get3A_729] {strides = array<i32>} : memref<4x200x32xf32, #tpu.memory_space<vmem>>, vector<1x1x16xf32>,
        %get3A_731 = vector.shape_cast %get3A_730 : vector<1x1x16xf32> to vector<16xf32>
        %add3A_732 = arith.addf %add3A_714, %get3A_731 : vector<16xf32>
        %get3A_733 = arith.constant 2 : i32
        %get3A_734 = arith.index_cast %get3A_733 : i32 to index
        %get3A_735 = arith.index_cast %add3A_725 : i32 to index
        %get3A_736 = arith.constant 16 : index
        %get3A_737 = tpu.vector_load %arg8[%get3A_734, %get3A_735, %get3A_736] {strides = array<i32>} : memref<4x200x32xf32, #tpu.memory_space<vmem>>, vector<1x1x16xf32>,
        %get3A_738 = vector.shape_cast %get3A_737 : vector<1x1x16xf32> to vector<16xf32>
        %add3A_739 = arith.addf %add3A_721, %get3A_738 : vector<16xf32>
        %mul3A_740 = arith.constant 8 : i32
        %mul3A_741 = arith.muli %scan3A_629, %mul3A_740 : i32
        %add3A_742 = arith.constant 6 : i32
        %add3A_743 = arith.addi %mul3A_741, %add3A_742 : i32
        %get3A_744 = arith.constant 2 : i32
        %get3A_745 = arith.index_cast %get3A_744 : i32 to index
        %get3A_746 = arith.index_cast %add3A_743 : i32 to index
        %get3A_747 = arith.constant 0 : index
        %get3A_748 = tpu.vector_load %arg8[%get3A_745, %get3A_746, %get3A_747] {strides = array<i32>} : memref<4x200x32xf32, #tpu.memory_space<vmem>>, vector<1x1x16xf32>,
        %get3A_749 = vector.shape_cast %get3A_748 : vector<1x1x16xf32> to vector<16xf32>
        %add3A_750 = arith.addf %add3A_732, %get3A_749 : vector<16xf32>
        %get3A_751 = arith.constant 2 : i32
        %get3A_752 = arith.index_cast %get3A_751 : i32 to index
        %get3A_753 = arith.index_cast %add3A_743 : i32 to index
        %get3A_754 = arith.constant 16 : index
        %get3A_755 = tpu.vector_load %arg8[%get3A_752, %get3A_753, %get3A_754] {strides = array<i32>} : memref<4x200x32xf32, #tpu.memory_space<vmem>>, vector<1x1x16xf32>,
        %get3A_756 = vector.shape_cast %get3A_755 : vector<1x1x16xf32> to vector<16xf32>
        %add3A_757 = arith.addf %add3A_739, %get3A_756 : vector<16xf32>
        %mul3A_758 = arith.constant 8 : i32
        %mul3A_759 = arith.muli %scan3A_629, %mul3A_758 : i32
        %add3A_760 = arith.constant 7 : i32
        %add3A_761 = arith.addi %mul3A_759, %add3A_760 : i32
        %get3A_762 = arith.constant 2 : i32
        %get3A_763 = arith.index_cast %get3A_762 : i32 to index
        %get3A_764 = arith.index_cast %add3A_761 : i32 to index
        %get3A_765 = arith.constant 0 : index
        %get3A_766 = tpu.vector_load %arg8[%get3A_763, %get3A_764, %get3A_765] {strides = array<i32>} : memref<4x200x32xf32, #tpu.memory_space<vmem>>, vector<1x1x16xf32>,
        %get3A_767 = vector.shape_cast %get3A_766 : vector<1x1x16xf32> to vector<16xf32>
        %add3A_768 = arith.addf %add3A_750, %get3A_767 : vector<16xf32>
        %get3A_769 = arith.constant 2 : i32
        %get3A_770 = arith.index_cast %get3A_769 : i32 to index
        %get3A_771 = arith.index_cast %add3A_761 : i32 to index
        %get3A_772 = arith.constant 16 : index
        %get3A_773 = tpu.vector_load %arg8[%get3A_770, %get3A_771, %get3A_772] {strides = array<i32>} : memref<4x200x32xf32, #tpu.memory_space<vmem>>, vector<1x1x16xf32>,
        %get3A_774 = vector.shape_cast %get3A_773 : vector<1x1x16xf32> to vector<16xf32>
        %add3A_775 = arith.addf %add3A_757, %get3A_774 : vector<16xf32>
        scf.yield %add3A_768, %add3A_775 : vector<16xf32>, vector<16xf32>
      }
      %scan3A_472 = arith.constant 25 : i32
      %get3A_473 = arith.index_cast %add3A_432 : i32 to index
      %get3A_474 = arith.constant 0 : index
      %get3A_475 = tpu.vector_load %arg7[%get3A_473, %get3A_474] {strides = array<i32>} : memref<128x32xf32, #tpu.memory_space<vmem>>, vector<1x16xf32>,
      %get3A_476 = vector.shape_cast %get3A_475 : vector<1x16xf32> to vector<16xf32>
      %div3A_477 = arith.divf %scan3A_471#0, %get3A_476 : vector<16xf32>
      %swap3A_478 = arith.index_cast %add3A_432 : i32 to index
      %swap3A_479 = arith.constant 0 : index
      %swap3A_480 = tpu.vector_load %arg9[%swap3A_478, %swap3A_479] {strides = array<i32>} : memref<128x32xf32, #tpu.memory_space<vmem>>, vector<1x16xf32>,
      %swap3A_481 = vector.shape_cast %swap3A_480 : vector<1x16xf32> to vector<16xf32>
      %swap3A_482 = vector.shape_cast %div3A_477 : vector<16xf32> to vector<1x16xf32>
      tpu.vector_store %arg9[%swap3A_478, %swap3A_479], %swap3A_482 {strides = array<i32>} : memref<128x32xf32, #tpu.memory_space<vmem>>, vector<1x16xf32>,
      %get3A_483 = arith.index_cast %add3A_432 : i32 to index
      %get3A_484 = arith.constant 16 : index
      %get3A_485 = tpu.vector_load %arg7[%get3A_483, %get3A_484] {strides = array<i32>} : memref<128x32xf32, #tpu.memory_space<vmem>>, vector<1x16xf32>,
      %get3A_486 = vector.shape_cast %get3A_485 : vector<1x16xf32> to vector<16xf32>
      %div3A_487 = arith.divf %scan3A_471#1, %get3A_486 : vector<16xf32>
      %swap3A_488 = arith.index_cast %add3A_432 : i32 to index
      %swap3A_489 = arith.constant 16 : index
      %swap3A_490 = tpu.vector_load %arg9[%swap3A_488, %swap3A_489] {strides = array<i32>} : memref<128x32xf32, #tpu.memory_space<vmem>>, vector<1x16xf32>,
      %swap3A_491 = vector.shape_cast %swap3A_490 : vector<1x16xf32> to vector<16xf32>
      %swap3A_492 = vector.shape_cast %div3A_487 : vector<16xf32> to vector<1x16xf32>
      tpu.vector_store %arg9[%swap3A_488, %swap3A_489], %swap3A_492 {strides = array<i32>} : memref<128x32xf32, #tpu.memory_space<vmem>>, vector<1x16xf32>,
      %add3A_493 = arith.constant 4 : i32
      %add3A_494 = arith.addi %add3A_432, %add3A_493 : i32
      %min3A_495 = arith.constant 127 : i32
      %min3A_496 = arith.minsi %add3A_494, %min3A_495 : i32
      %mul3A_497 = arith.constant 200 : i32
      %mul3A_498 = arith.muli %min3A_496, %mul3A_497 : i32
      %multiple_of3A_499 = tpu.assume_multiple %mul3A_498, 8 : i32
      %mul3A_500 = arith.constant 200 : i32
      %mul3A_501 = arith.muli %min3A_496, %mul3A_500 : i32
      %add3A_502 = arith.constant 128 : i32
      %add3A_503 = arith.addi %mul3A_501, %add3A_502 : i32
      %multiple_of3A_504 = tpu.assume_multiple %add3A_503, 8 : i32
      %dma_start3A_505 = arith.constant 2 : i32
      %dma_start3A_506 = arith.constant 0 : i32
      %dma_start3A_507 = arith.constant 0 : i32
      %dma_start3A_508 = tpu.memref_slice %arg8[%dma_start3A_505, %dma_start3A_506, %dma_start3A_507] : memref<4x200x32xf32, #tpu.memory_space<vmem>> -> memref<1x200x32xf32, #tpu.memory_space<vmem>>
      %dma_start3A_509 = tpu.memref_squeeze %dma_start3A_508 : memref<1x200x32xf32, #tpu.memory_space<vmem>> -> memref<200x32xf32, #tpu.memory_space<vmem>>
      %dma_start3A_510 = arith.constant 0 : i32
      %dma_start3A_511 = arith.constant 0 : i32
      %dma_start3A_512 = tpu.memref_slice %dma_start3A_509[%dma_start3A_510, %dma_start3A_511] : memref<200x32xf32, #tpu.memory_space<vmem>> -> memref<128x32xf32, #tpu.memory_space<vmem>>
      %dma_start3A_513 = tpu.memref_slice %arg6[%multiple_of3A_499] : memref<25600xi32, #tpu.memory_space<vmem>> -> memref<128xi32, #tpu.memory_space<vmem>>
      %dma_start3A_514 = arith.constant 0 : i32
      %dma_start3A_515 = arith.constant 0 : i32
      %dma_start3A_516 = tpu.memref_slice %arg2[%dma_start3A_514, %dma_start3A_515] : memref<1015808x32xf32, #tpu.memory_space<hbm>> -> memref<1015808x32xf32, #tpu.memory_space<hbm>>
      tpu.enqueue_indirect_dma source(%dma_start3A_516 : memref<1015808x32xf32, #tpu.memory_space<hbm>>) target(%dma_start3A_512 : memref<128x32xf32, #tpu.memory_space<vmem>>) offsets(%dma_start3A_513 : memref<128xi32, #tpu.memory_space<vmem>>) semaphore(%arg12 : memref<!tpu.dma_semaphore, #tpu.memory_space<semaphore_mem>>)
      %dma_start3A_517 = arith.constant 2 : i32
      %dma_start3A_518 = arith.constant 0 : i32
      %dma_start3A_519 = arith.constant 0 : i32
      %dma_start3A_520 = tpu.memref_slice %arg8[%dma_start3A_517, %dma_start3A_518, %dma_start3A_519] : memref<4x200x32xf32, #tpu.memory_space<vmem>> -> memref<1x200x32xf32, #tpu.memory_space<vmem>>
      %dma_start3A_521 = tpu.memref_squeeze %dma_start3A_520 : memref<1x200x32xf32, #tpu.memory_space<vmem>> -> memref<200x32xf32, #tpu.memory_space<vmem>>
      %dma_start3A_522 = arith.constant 128 : i32
      %dma_start3A_523 = arith.constant 0 : i32
      %dma_start3A_524 = tpu.memref_slice %dma_start3A_521[%dma_start3A_522, %dma_start3A_523] : memref<200x32xf32, #tpu.memory_space<vmem>> -> memref<72x32xf32, #tpu.memory_space<vmem>>
      %dma_start3A_525 = tpu.memref_slice %arg6[%multiple_of3A_504] : memref<25600xi32, #tpu.memory_space<vmem>> -> memref<72xi32, #tpu.memory_space<vmem>>
      %dma_start3A_526 = arith.constant 0 : i32
      %dma_start3A_527 = arith.constant 0 : i32
      %dma_start3A_528 = tpu.memref_slice %arg2[%dma_start3A_526, %dma_start3A_527] : memref<1015808x32xf32, #tpu.memory_space<hbm>> -> memref<1015808x32xf32, #tpu.memory_space<hbm>>
      tpu.enqueue_indirect_dma source(%dma_start3A_528 : memref<1015808x32xf32, #tpu.memory_space<hbm>>) target(%dma_start3A_524 : memref<72x32xf32, #tpu.memory_space<vmem>>) offsets(%dma_start3A_525 : memref<72xi32, #tpu.memory_space<vmem>>) semaphore(%arg12 : memref<!tpu.dma_semaphore, #tpu.memory_space<semaphore_mem>>)
      %mul3A_529 = arith.constant 4 : i32
      %mul3A_530 = arith.muli %scan3A_233, %mul3A_529 : i32
      %add3A_531 = arith.constant 3 : i32
      %add3A_532 = arith.addi %mul3A_530, %add3A_531 : i32
      %mul3A_533 = arith.constant 200 : i32
      %mul3A_534 = arith.muli %add3A_532, %mul3A_533 : i32
      %multiple_of3A_535 = tpu.assume_multiple %mul3A_534, 8 : i32
      %mul3A_536 = arith.constant 200 : i32
      %mul3A_537 = arith.muli %add3A_532, %mul3A_536 : i32
      %add3A_538 = arith.constant 128 : i32
      %add3A_539 = arith.addi %mul3A_537, %add3A_538 : i32
      %multiple_of3A_540 = tpu.assume_multiple %add3A_539, 8 : i32
      %dma_wait3A_541 = arith.constant 3 : i32
      %dma_wait3A_542 = arith.constant 0 : i32
      %dma_wait3A_543 = arith.constant 0 : i32
      %dma_wait3A_544 = tpu.memref_slice %arg8[%dma_wait3A_541, %dma_wait3A_542, %dma_wait3A_543] : memref<4x200x32xf32, #tpu.memory_space<vmem>> -> memref<1x200x32xf32, #tpu.memory_space<vmem>>
      %dma_wait3A_545 = tpu.memref_squeeze %dma_wait3A_544 : memref<1x200x32xf32, #tpu.memory_space<vmem>> -> memref<200x32xf32, #tpu.memory_space<vmem>>
      %dma_wait3A_546 = arith.constant 0 : i32
      %dma_wait3A_547 = arith.constant 0 : i32
      %dma_wait3A_548 = tpu.memref_slice %dma_wait3A_545[%dma_wait3A_546, %dma_wait3A_547] : memref<200x32xf32, #tpu.memory_space<vmem>> -> memref<128x32xf32, #tpu.memory_space<vmem>>
      %dma_wait3A_549 = tpu.memref_slice %arg6[%multiple_of3A_535] : memref<25600xi32, #tpu.memory_space<vmem>> -> memref<128xi32, #tpu.memory_space<vmem>>
      %dma_wait3A_550 = arith.constant 0 : i32
      %dma_wait3A_551 = arith.constant 0 : i32
      %dma_wait3A_552 = tpu.memref_slice %arg2[%dma_wait3A_550, %dma_wait3A_551] : memref<1015808x32xf32, #tpu.memory_space<hbm>> -> memref<1015808x32xf32, #tpu.memory_space<hbm>>
      tpu.wait_indirect_dma semaphore(%arg13 : memref<!tpu.dma_semaphore, #tpu.memory_space<semaphore_mem>>) src(%dma_wait3A_552 : memref<1015808x32xf32, #tpu.memory_space<hbm>>) dst(%dma_wait3A_548 : memref<128x32xf32, #tpu.memory_space<vmem>>)
      %dma_wait3A_553 = arith.constant 3 : i32
      %dma_wait3A_554 = arith.constant 0 : i32
      %dma_wait3A_555 = arith.constant 0 : i32
      %dma_wait3A_556 = tpu.memref_slice %arg8[%dma_wait3A_553, %dma_wait3A_554, %dma_wait3A_555] : memref<4x200x32xf32, #tpu.memory_space<vmem>> -> memref<1x200x32xf32, #tpu.memory_space<vmem>>
      %dma_wait3A_557 = tpu.memref_squeeze %dma_wait3A_556 : memref<1x200x32xf32, #tpu.memory_space<vmem>> -> memref<200x32xf32, #tpu.memory_space<vmem>>
      %dma_wait3A_558 = arith.constant 128 : i32
      %dma_wait3A_559 = arith.constant 0 : i32
      %dma_wait3A_560 = tpu.memref_slice %dma_wait3A_557[%dma_wait3A_558, %dma_wait3A_559] : memref<200x32xf32, #tpu.memory_space<vmem>> -> memref<72x32xf32, #tpu.memory_space<vmem>>
      %dma_wait3A_561 = tpu.memref_slice %arg6[%multiple_of3A_540] : memref<25600xi32, #tpu.memory_space<vmem>> -> memref<72xi32, #tpu.memory_space<vmem>>
      %dma_wait3A_562 = arith.constant 0 : i32
      %dma_wait3A_563 = arith.constant 0 : i32
      %dma_wait3A_564 = tpu.memref_slice %arg2[%dma_wait3A_562, %dma_wait3A_563] : memref<1015808x32xf32, #tpu.memory_space<hbm>> -> memref<1015808x32xf32, #tpu.memory_space<hbm>>
      tpu.wait_indirect_dma semaphore(%arg13 : memref<!tpu.dma_semaphore, #tpu.memory_space<semaphore_mem>>) src(%dma_wait3A_564 : memref<1015808x32xf32, #tpu.memory_space<hbm>>) dst(%dma_wait3A_560 : memref<72x32xf32, #tpu.memory_space<vmem>>)
      %broadcast_in_dim3A_565 = arith.constant 0.000000e+00 : f32
      %broadcast_in_dim3A_566 = vector.broadcast %broadcast_in_dim3A_565 : f32 to vector<16xf32>
      %scan3A_567 = arith.constant 0 : i32
      %scan3A_568 = arith.constant 25 : i32
      %scan3A_569 = arith.addi %scan3A_567, %scan3A_568 : i32
      %scan3A_570 = arith.constant 1 : i32
      %scan3A_571:2 = scf.for %scan3A_629 = %scan3A_567 to %scan3A_569 step %scan3A_570 iter_args(%scan3A_630 = %broadcast_in_dim3A_566, %scan3A_631 = %broadcast_in_dim3A_566) -> (vector<16xf32>, vector<16xf32>)  : i32 {
        %mul3A_632 = arith.constant 8 : i32
        %mul3A_633 = arith.muli %scan3A_629, %mul3A_632 : i32
        %add3A_634 = arith.constant 0 : i32
        %add3A_635 = arith.addi %mul3A_633, %add3A_634 : i32
        %get3A_636 = arith.constant 3 : i32
        %get3A_637 = arith.index_cast %get3A_636 : i32 to index
        %get3A_638 = arith.index_cast %add3A_635 : i32 to index
        %get3A_639 = arith.constant 0 : index
        %get3A_640 = tpu.vector_load %arg8[%get3A_637, %get3A_638, %get3A_639] {strides = array<i32>} : memref<4x200x32xf32, #tpu.memory_space<vmem>>, vector<1x1x16xf32>,
        %get3A_641 = vector.shape_cast %get3A_640 : vector<1x1x16xf32> to vector<16xf32>
        %add3A_642 = arith.addf %scan3A_630, %get3A_641 : vector<16xf32>
        %get3A_643 = arith.constant 3 : i32
        %get3A_644 = arith.index_cast %get3A_643 : i32 to index
        %get3A_645 = arith.index_cast %add3A_635 : i32 to index
        %get3A_646 = arith.constant 16 : index
        %get3A_647 = tpu.vector_load %arg8[%get3A_644, %get3A_645, %get3A_646] {strides = array<i32>} : memref<4x200x32xf32, #tpu.memory_space<vmem>>, vector<1x1x16xf32>,
        %get3A_648 = vector.shape_cast %get3A_647 : vector<1x1x16xf32> to vector<16xf32>
        %add3A_649 = arith.addf %scan3A_631, %get3A_648 : vector<16xf32>
        %mul3A_650 = arith.constant 8 : i32
        %mul3A_651 = arith.muli %scan3A_629, %mul3A_650 : i32
        %add3A_652 = arith.constant 1 : i32
        %add3A_653 = arith.addi %mul3A_651, %add3A_652 : i32
        %get3A_654 = arith.constant 3 : i32
        %get3A_655 = arith.index_cast %get3A_654 : i32 to index
        %get3A_656 = arith.index_cast %add3A_653 : i32 to index
        %get3A_657 = arith.constant 0 : index
        %get3A_658 = tpu.vector_load %arg8[%get3A_655, %get3A_656, %get3A_657] {strides = array<i32>} : memref<4x200x32xf32, #tpu.memory_space<vmem>>, vector<1x1x16xf32>,
        %get3A_659 = vector.shape_cast %get3A_658 : vector<1x1x16xf32> to vector<16xf32>
        %add3A_660 = arith.addf %add3A_642, %get3A_659 : vector<16xf32>
        %get3A_661 = arith.constant 3 : i32
        %get3A_662 = arith.index_cast %get3A_661 : i32 to index
        %get3A_663 = arith.index_cast %add3A_653 : i32 to index
        %get3A_664 = arith.constant 16 : index
        %get3A_665 = tpu.vector_load %arg8[%get3A_662, %get3A_663, %get3A_664] {strides = array<i32>} : memref<4x200x32xf32, #tpu.memory_space<vmem>>, vector<1x1x16xf32>,
        %get3A_666 = vector.shape_cast %get3A_665 : vector<1x1x16xf32> to vector<16xf32>
        %add3A_667 = arith.addf %add3A_649, %get3A_666 : vector<16xf32>
        %mul3A_668 = arith.constant 8 : i32
        %mul3A_669 = arith.muli %scan3A_629, %mul3A_668 : i32
        %add3A_670 = arith.constant 2 : i32
        %add3A_671 = arith.addi %mul3A_669, %add3A_670 : i32
        %get3A_672 = arith.constant 3 : i32
        %get3A_673 = arith.index_cast %get3A_672 : i32 to index
        %get3A_674 = arith.index_cast %add3A_671 : i32 to index
        %get3A_675 = arith.constant 0 : index
        %get3A_676 = tpu.vector_load %arg8[%get3A_673, %get3A_674, %get3A_675] {strides = array<i32>} : memref<4x200x32xf32, #tpu.memory_space<vmem>>, vector<1x1x16xf32>,
        %get3A_677 = vector.shape_cast %get3A_676 : vector<1x1x16xf32> to vector<16xf32>
        %add3A_678 = arith.addf %add3A_660, %get3A_677 : vector<16xf32>
        %get3A_679 = arith.constant 3 : i32
        %get3A_680 = arith.index_cast %get3A_679 : i32 to index
        %get3A_681 = arith.index_cast %add3A_671 : i32 to index
        %get3A_682 = arith.constant 16 : index
        %get3A_683 = tpu.vector_load %arg8[%get3A_680, %get3A_681, %get3A_682] {strides = array<i32>} : memref<4x200x32xf32, #tpu.memory_space<vmem>>, vector<1x1x16xf32>,
        %get3A_684 = vector.shape_cast %get3A_683 : vector<1x1x16xf32> to vector<16xf32>
        %add3A_685 = arith.addf %add3A_667, %get3A_684 : vector<16xf32>
        %mul3A_686 = arith.constant 8 : i32
        %mul3A_687 = arith.muli %scan3A_629, %mul3A_686 : i32
        %add3A_688 = arith.constant 3 : i32
        %add3A_689 = arith.addi %mul3A_687, %add3A_688 : i32
        %get3A_690 = arith.constant 3 : i32
        %get3A_691 = arith.index_cast %get3A_690 : i32 to index
        %get3A_692 = arith.index_cast %add3A_689 : i32 to index
        %get3A_693 = arith.constant 0 : index
        %get3A_694 = tpu.vector_load %arg8[%get3A_691, %get3A_692, %get3A_693] {strides = array<i32>} : memref<4x200x32xf32, #tpu.memory_space<vmem>>, vector<1x1x16xf32>,
        %get3A_695 = vector.shape_cast %get3A_694 : vector<1x1x16xf32> to vector<16xf32>
        %add3A_696 = arith.addf %add3A_678, %get3A_695 : vector<16xf32>
        %get3A_697 = arith.constant 3 : i32
        %get3A_698 = arith.index_cast %get3A_697 : i32 to index
        %get3A_699 = arith.index_cast %add3A_689 : i32 to index
        %get3A_700 = arith.constant 16 : index
        %get3A_701 = tpu.vector_load %arg8[%get3A_698, %get3A_699, %get3A_700] {strides = array<i32>} : memref<4x200x32xf32, #tpu.memory_space<vmem>>, vector<1x1x16xf32>,
        %get3A_702 = vector.shape_cast %get3A_701 : vector<1x1x16xf32> to vector<16xf32>
        %add3A_703 = arith.addf %add3A_685, %get3A_702 : vector<16xf32>
        %mul3A_704 = arith.constant 8 : i32
        %mul3A_705 = arith.muli %scan3A_629, %mul3A_704 : i32
        %add3A_706 = arith.constant 4 : i32
        %add3A_707 = arith.addi %mul3A_705, %add3A_706 : i32
        %get3A_708 = arith.constant 3 : i32
        %get3A_709 = arith.index_cast %get3A_708 : i32 to index
        %get3A_710 = arith.index_cast %add3A_707 : i32 to index
        %get3A_711 = arith.constant 0 : index
        %get3A_712 = tpu.vector_load %arg8[%get3A_709, %get3A_710, %get3A_711] {strides = array<i32>} : memref<4x200x32xf32, #tpu.memory_space<vmem>>, vector<1x1x16xf32>,
        %get3A_713 = vector.shape_cast %get3A_712 : vector<1x1x16xf32> to vector<16xf32>
        %add3A_714 = arith.addf %add3A_696, %get3A_713 : vector<16xf32>
        %get3A_715 = arith.constant 3 : i32
        %get3A_716 = arith.index_cast %get3A_715 : i32 to index
        %get3A_717 = arith.index_cast %add3A_707 : i32 to index
        %get3A_718 = arith.constant 16 : index
        %get3A_719 = tpu.vector_load %arg8[%get3A_716, %get3A_717, %get3A_718] {strides = array<i32>} : memref<4x200x32xf32, #tpu.memory_space<vmem>>, vector<1x1x16xf32>,
        %get3A_720 = vector.shape_cast %get3A_719 : vector<1x1x16xf32> to vector<16xf32>
        %add3A_721 = arith.addf %add3A_703, %get3A_720 : vector<16xf32>
        %mul3A_722 = arith.constant 8 : i32
        %mul3A_723 = arith.muli %scan3A_629, %mul3A_722 : i32
        %add3A_724 = arith.constant 5 : i32
        %add3A_725 = arith.addi %mul3A_723, %add3A_724 : i32
        %get3A_726 = arith.constant 3 : i32
        %get3A_727 = arith.index_cast %get3A_726 : i32 to index
        %get3A_728 = arith.index_cast %add3A_725 : i32 to index
        %get3A_729 = arith.constant 0 : index
        %get3A_730 = tpu.vector_load %arg8[%get3A_727, %get3A_728, %get3A_729] {strides = array<i32>} : memref<4x200x32xf32, #tpu.memory_space<vmem>>, vector<1x1x16xf32>,
        %get3A_731 = vector.shape_cast %get3A_730 : vector<1x1x16xf32> to vector<16xf32>
        %add3A_732 = arith.addf %add3A_714, %get3A_731 : vector<16xf32>
        %get3A_733 = arith.constant 3 : i32
        %get3A_734 = arith.index_cast %get3A_733 : i32 to index
        %get3A_735 = arith.index_cast %add3A_725 : i32 to index
        %get3A_736 = arith.constant 16 : index
        %get3A_737 = tpu.vector_load %arg8[%get3A_734, %get3A_735, %get3A_736] {strides = array<i32>} : memref<4x200x32xf32, #tpu.memory_space<vmem>>, vector<1x1x16xf32>,
        %get3A_738 = vector.shape_cast %get3A_737 : vector<1x1x16xf32> to vector<16xf32>
        %add3A_739 = arith.addf %add3A_721, %get3A_738 : vector<16xf32>
        %mul3A_740 = arith.constant 8 : i32
        %mul3A_741 = arith.muli %scan3A_629, %mul3A_740 : i32
        %add3A_742 = arith.constant 6 : i32
        %add3A_743 = arith.addi %mul3A_741, %add3A_742 : i32
        %get3A_744 = arith.constant 3 : i32
        %get3A_745 = arith.index_cast %get3A_744 : i32 to index
        %get3A_746 = arith.index_cast %add3A_743 : i32 to index
        %get3A_747 = arith.constant 0 : index
        %get3A_748 = tpu.vector_load %arg8[%get3A_745, %get3A_746, %get3A_747] {strides = array<i32>} : memref<4x200x32xf32, #tpu.memory_space<vmem>>, vector<1x1x16xf32>,
        %get3A_749 = vector.shape_cast %get3A_748 : vector<1x1x16xf32> to vector<16xf32>
        %add3A_750 = arith.addf %add3A_732, %get3A_749 : vector<16xf32>
        %get3A_751 = arith.constant 3 : i32
        %get3A_752 = arith.index_cast %get3A_751 : i32 to index
        %get3A_753 = arith.index_cast %add3A_743 : i32 to index
        %get3A_754 = arith.constant 16 : index
        %get3A_755 = tpu.vector_load %arg8[%get3A_752, %get3A_753, %get3A_754] {strides = array<i32>} : memref<4x200x32xf32, #tpu.memory_space<vmem>>, vector<1x1x16xf32>,
        %get3A_756 = vector.shape_cast %get3A_755 : vector<1x1x16xf32> to vector<16xf32>
        %add3A_757 = arith.addf %add3A_739, %get3A_756 : vector<16xf32>
        %mul3A_758 = arith.constant 8 : i32
        %mul3A_759 = arith.muli %scan3A_629, %mul3A_758 : i32
        %add3A_760 = arith.constant 7 : i32
        %add3A_761 = arith.addi %mul3A_759, %add3A_760 : i32
        %get3A_762 = arith.constant 3 : i32
        %get3A_763 = arith.index_cast %get3A_762 : i32 to index
        %get3A_764 = arith.index_cast %add3A_761 : i32 to index
        %get3A_765 = arith.constant 0 : index
        %get3A_766 = tpu.vector_load %arg8[%get3A_763, %get3A_764, %get3A_765] {strides = array<i32>} : memref<4x200x32xf32, #tpu.memory_space<vmem>>, vector<1x1x16xf32>,
        %get3A_767 = vector.shape_cast %get3A_766 : vector<1x1x16xf32> to vector<16xf32>
        %add3A_768 = arith.addf %add3A_750, %get3A_767 : vector<16xf32>
        %get3A_769 = arith.constant 3 : i32
        %get3A_770 = arith.index_cast %get3A_769 : i32 to index
        %get3A_771 = arith.index_cast %add3A_761 : i32 to index
        %get3A_772 = arith.constant 16 : index
        %get3A_773 = tpu.vector_load %arg8[%get3A_770, %get3A_771, %get3A_772] {strides = array<i32>} : memref<4x200x32xf32, #tpu.memory_space<vmem>>, vector<1x1x16xf32>,
        %get3A_774 = vector.shape_cast %get3A_773 : vector<1x1x16xf32> to vector<16xf32>
        %add3A_775 = arith.addf %add3A_757, %get3A_774 : vector<16xf32>
        scf.yield %add3A_768, %add3A_775 : vector<16xf32>, vector<16xf32>
      }
      %scan3A_572 = arith.constant 25 : i32
      %get3A_573 = arith.index_cast %add3A_532 : i32 to index
      %get3A_574 = arith.constant 0 : index
      %get3A_575 = tpu.vector_load %arg7[%get3A_573, %get3A_574] {strides = array<i32>} : memref<128x32xf32, #tpu.memory_space<vmem>>, vector<1x16xf32>,
      %get3A_576 = vector.shape_cast %get3A_575 : vector<1x16xf32> to vector<16xf32>
      %div3A_577 = arith.divf %scan3A_571#0, %get3A_576 : vector<16xf32>
      %swap3A_578 = arith.index_cast %add3A_532 : i32 to index
      %swap3A_579 = arith.constant 0 : index
      %swap3A_580 = tpu.vector_load %arg9[%swap3A_578, %swap3A_579] {strides = array<i32>} : memref<128x32xf32, #tpu.memory_space<vmem>>, vector<1x16xf32>,
      %swap3A_581 = vector.shape_cast %swap3A_580 : vector<1x16xf32> to vector<16xf32>
      %swap3A_582 = vector.shape_cast %div3A_577 : vector<16xf32> to vector<1x16xf32>
      tpu.vector_store %arg9[%swap3A_578, %swap3A_579], %swap3A_582 {strides = array<i32>} : memref<128x32xf32, #tpu.memory_space<vmem>>, vector<1x16xf32>,
      %get3A_583 = arith.index_cast %add3A_532 : i32 to index
      %get3A_584 = arith.constant 16 : index
      %get3A_585 = tpu.vector_load %arg7[%get3A_583, %get3A_584] {strides = array<i32>} : memref<128x32xf32, #tpu.memory_space<vmem>>, vector<1x16xf32>,
      %get3A_586 = vector.shape_cast %get3A_585 : vector<1x16xf32> to vector<16xf32>
      %div3A_587 = arith.divf %scan3A_571#1, %get3A_586 : vector<16xf32>
      %swap3A_588 = arith.index_cast %add3A_532 : i32 to index
      %swap3A_589 = arith.constant 16 : index
      %swap3A_590 = tpu.vector_load %arg9[%swap3A_588, %swap3A_589] {strides = array<i32>} : memref<128x32xf32, #tpu.memory_space<vmem>>, vector<1x16xf32>,
      %swap3A_591 = vector.shape_cast %swap3A_590 : vector<1x16xf32> to vector<16xf32>
      %swap3A_592 = vector.shape_cast %div3A_587 : vector<16xf32> to vector<1x16xf32>
      tpu.vector_store %arg9[%swap3A_588, %swap3A_589], %swap3A_592 {strides = array<i32>} : memref<128x32xf32, #tpu.memory_space<vmem>>, vector<1x16xf32>,
      %add3A_593 = arith.constant 4 : i32
      %add3A_594 = arith.addi %add3A_532, %add3A_593 : i32
      %min3A_595 = arith.constant 127 : i32
      %min3A_596 = arith.minsi %add3A_594, %min3A_595 : i32
      %mul3A_597 = arith.constant 200 : i32
      %mul3A_598 = arith.muli %min3A_596, %mul3A_597 : i32
      %multiple_of3A_599 = tpu.assume_multiple %mul3A_598, 8 : i32
      %mul3A_600 = arith.constant 200 : i32
      %mul3A_601 = arith.muli %min3A_596, %mul3A_600 : i32
      %add3A_602 = arith.constant 128 : i32
      %add3A_603 = arith.addi %mul3A_601, %add3A_602 : i32
      %multiple_of3A_604 = tpu.assume_multiple %add3A_603, 8 : i32
      %dma_start3A_605 = arith.constant 3 : i32
      %dma_start3A_606 = arith.constant 0 : i32
      %dma_start3A_607 = arith.constant 0 : i32
      %dma_start3A_608 = tpu.memref_slice %arg8[%dma_start3A_605, %dma_start3A_606, %dma_start3A_607] : memref<4x200x32xf32, #tpu.memory_space<vmem>> -> memref<1x200x32xf32, #tpu.memory_space<vmem>>
      %dma_start3A_609 = tpu.memref_squeeze %dma_start3A_608 : memref<1x200x32xf32, #tpu.memory_space<vmem>> -> memref<200x32xf32, #tpu.memory_space<vmem>>
      %dma_start3A_610 = arith.constant 0 : i32
      %dma_start3A_611 = arith.constant 0 : i32
      %dma_start3A_612 = tpu.memref_slice %dma_start3A_609[%dma_start3A_610, %dma_start3A_611] : memref<200x32xf32, #tpu.memory_space<vmem>> -> memref<128x32xf32, #tpu.memory_space<vmem>>
      %dma_start3A_613 = tpu.memref_slice %arg6[%multiple_of3A_599] : memref<25600xi32, #tpu.memory_space<vmem>> -> memref<128xi32, #tpu.memory_space<vmem>>
      %dma_start3A_614 = arith.constant 0 : i32
      %dma_start3A_615 = arith.constant 0 : i32
      %dma_start3A_616 = tpu.memref_slice %arg2[%dma_start3A_614, %dma_start3A_615] : memref<1015808x32xf32, #tpu.memory_space<hbm>> -> memref<1015808x32xf32, #tpu.memory_space<hbm>>
      tpu.enqueue_indirect_dma source(%dma_start3A_616 : memref<1015808x32xf32, #tpu.memory_space<hbm>>) target(%dma_start3A_612 : memref<128x32xf32, #tpu.memory_space<vmem>>) offsets(%dma_start3A_613 : memref<128xi32, #tpu.memory_space<vmem>>) semaphore(%arg13 : memref<!tpu.dma_semaphore, #tpu.memory_space<semaphore_mem>>)
      %dma_start3A_617 = arith.constant 3 : i32
      %dma_start3A_618 = arith.constant 0 : i32
      %dma_start3A_619 = arith.constant 0 : i32
      %dma_start3A_620 = tpu.memref_slice %arg8[%dma_start3A_617, %dma_start3A_618, %dma_start3A_619] : memref<4x200x32xf32, #tpu.memory_space<vmem>> -> memref<1x200x32xf32, #tpu.memory_space<vmem>>
      %dma_start3A_621 = tpu.memref_squeeze %dma_start3A_620 : memref<1x200x32xf32, #tpu.memory_space<vmem>> -> memref<200x32xf32, #tpu.memory_space<vmem>>
      %dma_start3A_622 = arith.constant 128 : i32
      %dma_start3A_623 = arith.constant 0 : i32
      %dma_start3A_624 = tpu.memref_slice %dma_start3A_621[%dma_start3A_622, %dma_start3A_623] : memref<200x32xf32, #tpu.memory_space<vmem>> -> memref<72x32xf32, #tpu.memory_space<vmem>>
      %dma_start3A_625 = tpu.memref_slice %arg6[%multiple_of3A_604] : memref<25600xi32, #tpu.memory_space<vmem>> -> memref<72xi32, #tpu.memory_space<vmem>>
      %dma_start3A_626 = arith.constant 0 : i32
      %dma_start3A_627 = arith.constant 0 : i32
      %dma_start3A_628 = tpu.memref_slice %arg2[%dma_start3A_626, %dma_start3A_627] : memref<1015808x32xf32, #tpu.memory_space<hbm>> -> memref<1015808x32xf32, #tpu.memory_space<hbm>>
      tpu.enqueue_indirect_dma source(%dma_start3A_628 : memref<1015808x32xf32, #tpu.memory_space<hbm>>) target(%dma_start3A_624 : memref<72x32xf32, #tpu.memory_space<vmem>>) offsets(%dma_start3A_625 : memref<72xi32, #tpu.memory_space<vmem>>) semaphore(%arg13 : memref<!tpu.dma_semaphore, #tpu.memory_space<semaphore_mem>>)
    }
    %scan3A_121 = arith.constant 32 : i32
    %multiple_of3A_122 = arith.constant 25400 : i32
    %multiple_of3A_123 = tpu.assume_multiple %multiple_of3A_122, 8 : i32
    %multiple_of3A_124 = arith.constant 25528 : i32
    %multiple_of3A_125 = tpu.assume_multiple %multiple_of3A_124, 8 : i32
    %dma_wait3A = arith.constant 0 : i32
    %dma_wait3A_126 = arith.constant 0 : i32
    %dma_wait3A_127 = arith.constant 0 : i32
    %dma_wait3A_128 = tpu.memref_slice %arg8[%dma_wait3A, %dma_wait3A_126, %dma_wait3A_127] : memref<4x200x32xf32, #tpu.memory_space<vmem>> -> memref<1x200x32xf32, #tpu.memory_space<vmem>>
    %dma_wait3A_129 = tpu.memref_squeeze %dma_wait3A_128 : memref<1x200x32xf32, #tpu.memory_space<vmem>> -> memref<200x32xf32, #tpu.memory_space<vmem>>
    %dma_wait3A_130 = arith.constant 0 : i32
    %dma_wait3A_131 = arith.constant 0 : i32
    %dma_wait3A_132 = tpu.memref_slice %dma_wait3A_129[%dma_wait3A_130, %dma_wait3A_131] : memref<200x32xf32, #tpu.memory_space<vmem>> -> memref<128x32xf32, #tpu.memory_space<vmem>>
    %dma_wait3A_133 = tpu.memref_slice %arg6[%multiple_of3A_123] : memref<25600xi32, #tpu.memory_space<vmem>> -> memref<128xi32, #tpu.memory_space<vmem>>
    %dma_wait3A_134 = arith.constant 0 : i32
    %dma_wait3A_135 = arith.constant 0 : i32
    %dma_wait3A_136 = tpu.memref_slice %arg2[%dma_wait3A_134, %dma_wait3A_135] : memref<1015808x32xf32, #tpu.memory_space<hbm>> -> memref<1015808x32xf32, #tpu.memory_space<hbm>>
    tpu.wait_indirect_dma semaphore(%arg10 : memref<!tpu.dma_semaphore, #tpu.memory_space<semaphore_mem>>) src(%dma_wait3A_136 : memref<1015808x32xf32, #tpu.memory_space<hbm>>) dst(%dma_wait3A_132 : memref<128x32xf32, #tpu.memory_space<vmem>>)
    %dma_wait3A_137 = arith.constant 0 : i32
    %dma_wait3A_138 = arith.constant 0 : i32
    %dma_wait3A_139 = arith.constant 0 : i32
    %dma_wait3A_140 = tpu.memref_slice %arg8[%dma_wait3A_137, %dma_wait3A_138, %dma_wait3A_139] : memref<4x200x32xf32, #tpu.memory_space<vmem>> -> memref<1x200x32xf32, #tpu.memory_space<vmem>>
    %dma_wait3A_141 = tpu.memref_squeeze %dma_wait3A_140 : memref<1x200x32xf32, #tpu.memory_space<vmem>> -> memref<200x32xf32, #tpu.memory_space<vmem>>
    %dma_wait3A_142 = arith.constant 128 : i32
    %dma_wait3A_143 = arith.constant 0 : i32
    %dma_wait3A_144 = tpu.memref_slice %dma_wait3A_141[%dma_wait3A_142, %dma_wait3A_143] : memref<200x32xf32, #tpu.memory_space<vmem>> -> memref<72x32xf32, #tpu.memory_space<vmem>>
    %dma_wait3A_145 = tpu.memref_slice %arg6[%multiple_of3A_125] : memref<25600xi32, #tpu.memory_space<vmem>> -> memref<72xi32, #tpu.memory_space<vmem>>
    %dma_wait3A_146 = arith.constant 0 : i32
    %dma_wait3A_147 = arith.constant 0 : i32
    %dma_wait3A_148 = tpu.memref_slice %arg2[%dma_wait3A_146, %dma_wait3A_147] : memref<1015808x32xf32, #tpu.memory_space<hbm>> -> memref<1015808x32xf32, #tpu.memory_space<hbm>>
    tpu.wait_indirect_dma semaphore(%arg10 : memref<!tpu.dma_semaphore, #tpu.memory_space<semaphore_mem>>) src(%dma_wait3A_148 : memref<1015808x32xf32, #tpu.memory_space<hbm>>) dst(%dma_wait3A_144 : memref<72x32xf32, #tpu.memory_space<vmem>>)
    %multiple_of3A_149 = arith.constant 25400 : i32
    %multiple_of3A_150 = tpu.assume_multiple %multiple_of3A_149, 8 : i32
    %multiple_of3A_151 = arith.constant 25528 : i32
    %multiple_of3A_152 = tpu.assume_multiple %multiple_of3A_151, 8 : i32
    %dma_wait3A_153 = arith.constant 1 : i32
    %dma_wait3A_154 = arith.constant 0 : i32
    %dma_wait3A_155 = arith.constant 0 : i32
    %dma_wait3A_156 = tpu.memref_slice %arg8[%dma_wait3A_153, %dma_wait3A_154, %dma_wait3A_155] : memref<4x200x32xf32, #tpu.memory_space<vmem>> -> memref<1x200x32xf32, #tpu.memory_space<vmem>>
    %dma_wait3A_157 = tpu.memref_squeeze %dma_wait3A_156 : memref<1x200x32xf32, #tpu.memory_space<vmem>> -> memref<200x32xf32, #tpu.memory_space<vmem>>
    %dma_wait3A_158 = arith.constant 0 : i32
    %dma_wait3A_159 = arith.constant 0 : i32
    %dma_wait3A_160 = tpu.memref_slice %dma_wait3A_157[%dma_wait3A_158, %dma_wait3A_159] : memref<200x32xf32, #tpu.memory_space<vmem>> -> memref<128x32xf32, #tpu.memory_space<vmem>>
    %dma_wait3A_161 = tpu.memref_slice %arg6[%multiple_of3A_150] : memref<25600xi32, #tpu.memory_space<vmem>> -> memref<128xi32, #tpu.memory_space<vmem>>
    %dma_wait3A_162 = arith.constant 0 : i32
    %dma_wait3A_163 = arith.constant 0 : i32
    %dma_wait3A_164 = tpu.memref_slice %arg2[%dma_wait3A_162, %dma_wait3A_163] : memref<1015808x32xf32, #tpu.memory_space<hbm>> -> memref<1015808x32xf32, #tpu.memory_space<hbm>>
    tpu.wait_indirect_dma semaphore(%arg11 : memref<!tpu.dma_semaphore, #tpu.memory_space<semaphore_mem>>) src(%dma_wait3A_164 : memref<1015808x32xf32, #tpu.memory_space<hbm>>) dst(%dma_wait3A_160 : memref<128x32xf32, #tpu.memory_space<vmem>>)
    %dma_wait3A_165 = arith.constant 1 : i32
    %dma_wait3A_166 = arith.constant 0 : i32
    %dma_wait3A_167 = arith.constant 0 : i32
    %dma_wait3A_168 = tpu.memref_slice %arg8[%dma_wait3A_165, %dma_wait3A_166, %dma_wait3A_167] : memref<4x200x32xf32, #tpu.memory_space<vmem>> -> memref<1x200x32xf32, #tpu.memory_space<vmem>>
    %dma_wait3A_169 = tpu.memref_squeeze %dma_wait3A_168 : memref<1x200x32xf32, #tpu.memory_space<vmem>> -> memref<200x32xf32, #tpu.memory_space<vmem>>
    %dma_wait3A_170 = arith.constant 128 : i32
    %dma_wait3A_171 = arith.constant 0 : i32
    %dma_wait3A_172 = tpu.memref_slice %dma_wait3A_169[%dma_wait3A_170, %dma_wait3A_171] : memref<200x32xf32, #tpu.memory_space<vmem>> -> memref<72x32xf32, #tpu.memory_space<vmem>>
    %dma_wait3A_173 = tpu.memref_slice %arg6[%multiple_of3A_152] : memref<25600xi32, #tpu.memory_space<vmem>> -> memref<72xi32, #tpu.memory_space<vmem>>
    %dma_wait3A_174 = arith.constant 0 : i32
    %dma_wait3A_175 = arith.constant 0 : i32
    %dma_wait3A_176 = tpu.memref_slice %arg2[%dma_wait3A_174, %dma_wait3A_175] : memref<1015808x32xf32, #tpu.memory_space<hbm>> -> memref<1015808x32xf32, #tpu.memory_space<hbm>>
    tpu.wait_indirect_dma semaphore(%arg11 : memref<!tpu.dma_semaphore, #tpu.memory_space<semaphore_mem>>) src(%dma_wait3A_176 : memref<1015808x32xf32, #tpu.memory_space<hbm>>) dst(%dma_wait3A_172 : memref<72x32xf32, #tpu.memory_space<vmem>>)
    %multiple_of3A_177 = arith.constant 25400 : i32
    %multiple_of3A_178 = tpu.assume_multiple %multiple_of3A_177, 8 : i32
    %multiple_of3A_179 = arith.constant 25528 : i32
    %multiple_of3A_180 = tpu.assume_multiple %multiple_of3A_179, 8 : i32
    %dma_wait3A_181 = arith.constant 2 : i32
    %dma_wait3A_182 = arith.constant 0 : i32
    %dma_wait3A_183 = arith.constant 0 : i32
    %dma_wait3A_184 = tpu.memref_slice %arg8[%dma_wait3A_181, %dma_wait3A_182, %dma_wait3A_183] : memref<4x200x32xf32, #tpu.memory_space<vmem>> -> memref<1x200x32xf32, #tpu.memory_space<vmem>>
    %dma_wait3A_185 = tpu.memref_squeeze %dma_wait3A_184 : memref<1x200x32xf32, #tpu.memory_space<vmem>> -> memref<200x32xf32, #tpu.memory_space<vmem>>
    %dma_wait3A_186 = arith.constant 0 : i32
    %dma_wait3A_187 = arith.constant 0 : i32
    %dma_wait3A_188 = tpu.memref_slice %dma_wait3A_185[%dma_wait3A_186, %dma_wait3A_187] : memref<200x32xf32, #tpu.memory_space<vmem>> -> memref<128x32xf32, #tpu.memory_space<vmem>>
    %dma_wait3A_189 = tpu.memref_slice %arg6[%multiple_of3A_178] : memref<25600xi32, #tpu.memory_space<vmem>> -> memref<128xi32, #tpu.memory_space<vmem>>
    %dma_wait3A_190 = arith.constant 0 : i32
    %dma_wait3A_191 = arith.constant 0 : i32
    %dma_wait3A_192 = tpu.memref_slice %arg2[%dma_wait3A_190, %dma_wait3A_191] : memref<1015808x32xf32, #tpu.memory_space<hbm>> -> memref<1015808x32xf32, #tpu.memory_space<hbm>>
    tpu.wait_indirect_dma semaphore(%arg12 : memref<!tpu.dma_semaphore, #tpu.memory_space<semaphore_mem>>) src(%dma_wait3A_192 : memref<1015808x32xf32, #tpu.memory_space<hbm>>) dst(%dma_wait3A_188 : memref<128x32xf32, #tpu.memory_space<vmem>>)
    %dma_wait3A_193 = arith.constant 2 : i32
    %dma_wait3A_194 = arith.constant 0 : i32
    %dma_wait3A_195 = arith.constant 0 : i32
    %dma_wait3A_196 = tpu.memref_slice %arg8[%dma_wait3A_193, %dma_wait3A_194, %dma_wait3A_195] : memref<4x200x32xf32, #tpu.memory_space<vmem>> -> memref<1x200x32xf32, #tpu.memory_space<vmem>>
    %dma_wait3A_197 = tpu.memref_squeeze %dma_wait3A_196 : memref<1x200x32xf32, #tpu.memory_space<vmem>> -> memref<200x32xf32, #tpu.memory_space<vmem>>
    %dma_wait3A_198 = arith.constant 128 : i32
    %dma_wait3A_199 = arith.constant 0 : i32
    %dma_wait3A_200 = tpu.memref_slice %dma_wait3A_197[%dma_wait3A_198, %dma_wait3A_199] : memref<200x32xf32, #tpu.memory_space<vmem>> -> memref<72x32xf32, #tpu.memory_space<vmem>>
    %dma_wait3A_201 = tpu.memref_slice %arg6[%multiple_of3A_180] : memref<25600xi32, #tpu.memory_space<vmem>> -> memref<72xi32, #tpu.memory_space<vmem>>
    %dma_wait3A_202 = arith.constant 0 : i32
    %dma_wait3A_203 = arith.constant 0 : i32
    %dma_wait3A_204 = tpu.memref_slice %arg2[%dma_wait3A_202, %dma_wait3A_203] : memref<1015808x32xf32, #tpu.memory_space<hbm>> -> memref<1015808x32xf32, #tpu.memory_space<hbm>>
    tpu.wait_indirect_dma semaphore(%arg12 : memref<!tpu.dma_semaphore, #tpu.memory_space<semaphore_mem>>) src(%dma_wait3A_204 : memref<1015808x32xf32, #tpu.memory_space<hbm>>) dst(%dma_wait3A_200 : memref<72x32xf32, #tpu.memory_space<vmem>>)
    %multiple_of3A_205 = arith.constant 25400 : i32
    %multiple_of3A_206 = tpu.assume_multiple %multiple_of3A_205, 8 : i32
    %multiple_of3A_207 = arith.constant 25528 : i32
    %multiple_of3A_208 = tpu.assume_multiple %multiple_of3A_207, 8 : i32
    %dma_wait3A_209 = arith.constant 3 : i32
    %dma_wait3A_210 = arith.constant 0 : i32
    %dma_wait3A_211 = arith.constant 0 : i32
    %dma_wait3A_212 = tpu.memref_slice %arg8[%dma_wait3A_209, %dma_wait3A_210, %dma_wait3A_211] : memref<4x200x32xf32, #tpu.memory_space<vmem>> -> memref<1x200x32xf32, #tpu.memory_space<vmem>>
    %dma_wait3A_213 = tpu.memref_squeeze %dma_wait3A_212 : memref<1x200x32xf32, #tpu.memory_space<vmem>> -> memref<200x32xf32, #tpu.memory_space<vmem>>
    %dma_wait3A_214 = arith.constant 0 : i32
    %dma_wait3A_215 = arith.constant 0 : i32
    %dma_wait3A_216 = tpu.memref_slice %dma_wait3A_213[%dma_wait3A_214, %dma_wait3A_215] : memref<200x32xf32, #tpu.memory_space<vmem>> -> memref<128x32xf32, #tpu.memory_space<vmem>>
    %dma_wait3A_217 = tpu.memref_slice %arg6[%multiple_of3A_206] : memref<25600xi32, #tpu.memory_space<vmem>> -> memref<128xi32, #tpu.memory_space<vmem>>
    %dma_wait3A_218 = arith.constant 0 : i32
    %dma_wait3A_219 = arith.constant 0 : i32
    %dma_wait3A_220 = tpu.memref_slice %arg2[%dma_wait3A_218, %dma_wait3A_219] : memref<1015808x32xf32, #tpu.memory_space<hbm>> -> memref<1015808x32xf32, #tpu.memory_space<hbm>>
    tpu.wait_indirect_dma semaphore(%arg13 : memref<!tpu.dma_semaphore, #tpu.memory_space<semaphore_mem>>) src(%dma_wait3A_220 : memref<1015808x32xf32, #tpu.memory_space<hbm>>) dst(%dma_wait3A_216 : memref<128x32xf32, #tpu.memory_space<vmem>>)
    %dma_wait3A_221 = arith.constant 3 : i32
    %dma_wait3A_222 = arith.constant 0 : i32
    %dma_wait3A_223 = arith.constant 0 : i32
    %dma_wait3A_224 = tpu.memref_slice %arg8[%dma_wait3A_221, %dma_wait3A_222, %dma_wait3A_223] : memref<4x200x32xf32, #tpu.memory_space<vmem>> -> memref<1x200x32xf32, #tpu.memory_space<vmem>>
    %dma_wait3A_225 = tpu.memref_squeeze %dma_wait3A_224 : memref<1x200x32xf32, #tpu.memory_space<vmem>> -> memref<200x32xf32, #tpu.memory_space<vmem>>
    %dma_wait3A_226 = arith.constant 128 : i32
    %dma_wait3A_227 = arith.constant 0 : i32
    %dma_wait3A_228 = tpu.memref_slice %dma_wait3A_225[%dma_wait3A_226, %dma_wait3A_227] : memref<200x32xf32, #tpu.memory_space<vmem>> -> memref<72x32xf32, #tpu.memory_space<vmem>>
    %dma_wait3A_229 = tpu.memref_slice %arg6[%multiple_of3A_208] : memref<25600xi32, #tpu.memory_space<vmem>> -> memref<72xi32, #tpu.memory_space<vmem>>
    %dma_wait3A_230 = arith.constant 0 : i32
    %dma_wait3A_231 = arith.constant 0 : i32
    %dma_wait3A_232 = tpu.memref_slice %arg2[%dma_wait3A_230, %dma_wait3A_231] : memref<1015808x32xf32, #tpu.memory_space<hbm>> -> memref<1015808x32xf32, #tpu.memory_space<hbm>>
    tpu.wait_indirect_dma semaphore(%arg13 : memref<!tpu.dma_semaphore, #tpu.memory_space<semaphore_mem>>) src(%dma_wait3A_232 : memref<1015808x32xf32, #tpu.memory_space<hbm>>) dst(%dma_wait3A_228 : memref<72x32xf32, #tpu.memory_space<vmem>>)
    "tpu.region"() ({
      %run_scoped3A = tpu.sem_alloc : memref<!tpu.dma_semaphore, #tpu.memory_space<semaphore_mem>>
      %dma_start3A_233 = arith.constant 0 : i32
      %dma_start3A_234 = tpu.memref_slice %arg5[%multiple_of3A, %dma_start3A_233] : memref<4096x32xf32, #tpu.memory_space<hbm>> -> memref<128x32xf32, #tpu.memory_space<hbm>>
      %dma_start3A_235 = arith.constant 0 : i32
      %dma_start3A_236 = tpu.memref_slice %arg5[%multiple_of3A, %dma_start3A_235] : memref<4096x32xf32, #tpu.memory_space<hbm>> -> memref<128x32xf32, #tpu.memory_space<hbm>>
      tpu.enqueue_dma source(%arg9 : memref<128x32xf32, #tpu.memory_space<vmem>>) target(%dma_start3A_236 : memref<128x32xf32, #tpu.memory_space<hbm>>) target_semaphore(%run_scoped3A : memref<!tpu.dma_semaphore, #tpu.memory_space<semaphore_mem>>)
      %dma_wait3A_237 = arith.constant 0 : i32
      %dma_wait3A_238 = tpu.memref_slice %arg5[%multiple_of3A, %dma_wait3A_237] : memref<4096x32xf32, #tpu.memory_space<hbm>> -> memref<128x32xf32, #tpu.memory_space<hbm>>
      %dma_wait3A_239 = arith.constant 0 : i32
      %dma_wait3A_240 = tpu.memref_slice %arg5[%multiple_of3A, %dma_wait3A_239] : memref<4096x32xf32, #tpu.memory_space<hbm>> -> memref<128x32xf32, #tpu.memory_space<hbm>>
      tpu.wait_dma2 semaphore(%run_scoped3A : memref<!tpu.dma_semaphore, #tpu.memory_space<semaphore_mem>>) src(%arg9 : memref<128x32xf32, #tpu.memory_space<vmem>>) dst(%dma_wait3A_240 : memref<128x32xf32, #tpu.memory_space<hbm>>)
      tpu.yield
    }) : () -> ()
    return
  }
}

module attributes {stable_mosaic.version = 14 : i64} {
  func.func @_tr_body(%arg0: i32, %arg1: memref<32x16384xf32, #tpu.memory_space<vmem>>, %arg2: memref<4096x128xf32, #tpu.memory_space<vmem>>) attributes {dimension_semantics = [#tpu.dimension_semantics<arbitrary>], iteration_bounds = array<i64: 62>, scalar_prefetch = 0 : i64, scratch_operands = 0 : i64, tpu.core_type = #tpu.core_type<tc>, window_params = [{transform_indices = @transform_0, window_bounds = array<i64: 32, 16384>}, {transform_indices = @transform_1, window_bounds = array<i64: 4096, 128>}]} {
    %get3A = arith.constant 0 : index
    %get3A_0 = arith.constant 0 : index
    %get3A_1 = vector.load %arg1[%get3A, %get3A_0] : memref<32x16384xf32, #tpu.memory_space<vmem>>, vector<32x16384xf32>
    %transpose3A = tpu.transpose %get3A_1, [1, 0] : vector<32x16384xf32> -> vector<16384x32xf32>
    %slice3A = vector.extract_strided_slice %transpose3A {offsets = [0, 0], sizes = [4096, 32], strides = [1, 1]} : vector<16384x32xf32> to vector<4096x32xf32>
    %slice3A_2 = vector.extract_strided_slice %transpose3A {offsets = [4096, 0], sizes = [4096, 32], strides = [1, 1]} : vector<16384x32xf32> to vector<4096x32xf32>
    %slice3A_3 = vector.extract_strided_slice %transpose3A {offsets = [8192, 0], sizes = [4096, 32], strides = [1, 1]} : vector<16384x32xf32> to vector<4096x32xf32>
    %slice3A_4 = vector.extract_strided_slice %transpose3A {offsets = [12288, 0], sizes = [4096, 32], strides = [1, 1]} : vector<16384x32xf32> to vector<4096x32xf32>
    %concatenate3A = tpu.concatenate %slice3A, %slice3A_2, %slice3A_3, %slice3A_4 in 1 : vector<4096x32xf32>, vector<4096x32xf32>, vector<4096x32xf32>, vector<4096x32xf32> -> vector<4096x128xf32>
    %swap3A = arith.constant 0 : index
    %swap3A_5 = arith.constant 0 : index
    %swap3A_6 = vector.load %arg2[%swap3A, %swap3A_5] : memref<4096x128xf32, #tpu.memory_space<vmem>>, vector<4096x128xf32>
    tpu.vector_store %arg2[%swap3A, %swap3A_5], %concatenate3A {strides = array<i32>} : memref<4096x128xf32, #tpu.memory_space<vmem>>, vector<4096x128xf32>,
    return
  }
  func.func @transform_0(%arg0: i32) -> (i32, i32) {
    %c0_i32 = arith.constant 0 : i32
    %c0_i32_0 = arith.constant 0 : i32
    return %c0_i32, %arg0 : i32, i32
  }
  func.func @transform_1(%arg0: i32) -> (i32, i32) {
    %c0_i32 = arith.constant 0 : i32
    %c0_i32_0 = arith.constant 0 : i32
    return %arg0, %c0_i32 : i32, i32
  }
}

</mosaic_0001>

<sc_bundles>
// kernel: _pooled.4.cloned.1.call-start
scs
__scs_entry_jumppad:
0x0: {  	(pc) =	sbr.rel $0x88, $3  }
0x1: {  	(tag) =	ssettag $0x0;
	lr =	simm.s32 $0x1  }
0x2: {  	[smem:$0x3F9E] =	sst lr;
	_ =	strace $0xD0000000  }
0x3: {  	_ = 	snop  }
0x4: {  	_ = 	snop  }
0x5: {  	_ = 	snop  }
0x6: {  	_ = 	snop  }
0x7: {  	_ = 	snop  }
__scs_overlays_trampoline_lowered:
0x8: {  	[smem:$0x3FAD] =	sst s0  }
0x9: {  	[smem:$0x3FAE] =	sst s1  }
0xa: {  	[smem:$0x3FAF] =	sst s2  }
0xb: {  	[smem:$0x3FB0] =	sst s3  }
0xc: {  	[smem:$0x3FB1] =	sst s4  }
0xd: {  	[smem:$0x3FB2] =	sst s5  }
0xe: {  	[smem:$0x3FB3] =	sst s6  }
0xf: {  	[smem:$0x3FB4] =	sst s7  }
0x10: {  	[smem:$0x3FB5] =	sst s8  }
0x11: {  	[smem:$0x3FB6] =	sst s9;
	s0 =	simm.s32 @!p0 $0x0  }
0x12: {  	s1 =	sld [smem:$0x3F9C];
	s0 =	simm.s32 @p0 $0x1  }
0x13: {  	[smem:$0x3FB7] =	sst s0;
	s0 =	simm.s32 @!p1 $0x0  }
0x14: {  	s2 =	sld [smem:$0x3F9B];
	s0 =	simm.s32 @p1 $0x1  }
0x15: {  	[smem:$0x3FB8] =	sst s0;
	s0 =	simm.s32 @!p2 $0x0  }
0x16: {  	s3 =	sld [smem:$0x3FDB];
	s0 =	simm.s32 @p2 $0x1  }
0x17: {  	s4 =	simm.s32 $0x1BF5;
	[smem:$0x3FBA] =	sst s0  }
0x18: {  	s0 =	sld [smem:$0x3F9D];
	_ =	swait.ge [sflag:s4], $0x0  }
0x19: {  	s7 =	sld [smem:$0x3F9E]  }
0x1a: {  	s8 =	sadd.s32 $0xFFFFE003, lr  }
0x1b: {  	s9 =	sadd.s32 $0xFFFFFEF7, lr;
	s5 =	simm.s32 $0xFFFFFFFF;
	p2 =	slt.u32 s8, $0xFFFFF086  }
0x1c: {  	p1 =	slt.u32 s9, $0xF7A;
	s5 =	simm.s32 @!p2 $0x0  }
0x1d: {  	s5 =	simm.s32 @p1 $0x1;
	p0 =	seq.s32 s7, s2  }
0x1e: {  	s7 =	smul.u32 @!p0 $0xF7A, s2;
	p2 =	seq.s32 @!p0 s5, $0x0  }
0x1f: {  	s9 =	smul.u32 $0xF7A, s1;
	s8 =	simm.s32 @!p0 $0x1BF5;
	p2 =	por !p2, p0  }
0x20: {  	[sflag:s8] =	ssyncset.s32 @!p0 $0xFFFFF086;
	s6 =	sadd.s32 @!p0 s3, s7;
	s7 =	simm.s32 @!p0 $0x108  }
0x21: {  	s3 =	sadd.s32 s3, s9;
	s6 =	sadd.s32 @!p0 $0x88, s6;
	s7 =	simm.s32 @p2 $0x1082  }
0x22: {  	[simem:s7], [sflag:s8] =	dma.local @!p0 [hbm:s6], $0xF7A  }
0x23: {  	s9 =	sor.u32 $0xD0000000, s2;
	s6 =	simm.s32 $0x108;
	_ =	swait.ge @!p0 [sflag:s8], $0x0  }
0x24: {  	s3 =	sadd.s32 $0x88, s3;
	s6 =	simm.s32 @!p1 $0x1082;
	[sflag:s4] =	ssyncset.s32 $0xFFFFF086  }
0x25: {  	[simem:s6], [sflag:s4] =	dma.local [hbm:s3], $0xF7A  }
0x26: {  	[smem:$0x3F9E] =	sst s1;
	(tag) =	ssettag s2;
	_ =	strace s9  }
0x27: {  	s1 =	sld [smem:$0x3FAE]  }
0x28: {  	s2 =	sld [smem:$0x3FAF]  }
0x29: {  	s4 =	sld [smem:$0x3FB1]  }
0x2a: {  	p0 =	seq.s32 s5, $0x0;
	s5 =	sld [smem:$0x3FB2]  }
0x2b: {  	s6 =	sld [smem:$0x3FB3]  }
0x2c: {  	s7 =	sld [smem:$0x3FB4]  }
0x2d: {  	s3 =	simm.s32 $0x108;
	s8 =	sld [smem:$0x3FB5]  }
0x2e: {  	s3 =	simm.s32 @!p0 $0x1082;
	s9 =	sld [smem:$0x3FB6]  }
0x2f: {  	lr =	sadd.s32 s0, s3;
	s0 =	sld [smem:$0x3FAD]  }
0x30: {  	s3 =	sld [smem:$0x3FB0]  }
0x31: {  	[smem:$0x3FB9] =	sst s10  }
0x32: {  	s10 =	sld [smem:$0x3FB7];
	_ =	sdelay $0x3  }
0x33: {  	p0 =	seq.s32 s10, $0x1;
	s10 =	sld [smem:$0x3FB9];
	_ =	sdelay $0x3  }
0x34: {  	[smem:$0x3FB9] =	sst s10  }
0x35: {  	s10 =	sld [smem:$0x3FB8];
	_ =	sdelay $0x3  }
0x36: {  	p1 =	seq.s32 s10, $0x1;
	s10 =	sld [smem:$0x3FB9];
	_ =	sdelay $0x3  }
0x37: {  	[smem:$0x3FB9] =	sst s10  }
0x38: {  	s10 =	sld [smem:$0x3FBA]  }
0x39: {  	_ = 	snop;
	(pc) =	sbr.ind lr, $3  }
0x3a: {  	_ = 	snop  }
0x3b: {  	_ = 	snop  }
0x3c: {  	p2 =	seq.s32 s10, $0x1;
	s10 =	sld [smem:$0x3FB9]  }
0x3d: {  	_ =	shalt  }
0x3e: {  	_ =	shalt  }
0x3f: {  	_ =	shalt  }
0x40: {  	_ =	shalt  }
0x41: {  	_ =	shalt  }
0x42: {  	_ =	shalt  }
0x43: {  	_ =	shalt  }
0x44: {  	_ =	shalt  }
0x45: {  	_ =	shalt  }
0x46: {  	_ =	shalt  }
0x47: {  	_ =	shalt  }
0x48: {  	_ =	shalt  }
0x49: {  	_ =	shalt  }
0x4a: {  	_ =	shalt  }
0x4b: {  	_ =	shalt  }
0x4c: {  	_ =	shalt  }
0x4d: {  	_ =	shalt  }
0x4e: {  	_ =	shalt  }
0x4f: {  	_ =	shalt  }
0x50: {  	_ =	shalt  }
0x51: {  	_ =	shalt  }
0x52: {  	_ =	shalt  }
0x53: {  	_ =	shalt  }
0x54: {  	_ =	shalt  }
0x55: {  	_ =	shalt  }
0x56: {  	_ =	shalt  }
0x57: {  	_ =	shalt  }
0x58: {  	_ =	shalt  }
0x59: {  	_ =	shalt  }
0x5a: {  	_ =	shalt  }
0x5b: {  	_ =	shalt  }
0x5c: {  	_ =	shalt  }
0x5d: {  	_ =	shalt  }
0x5e: {  	_ =	shalt  }
0x5f: {  	_ =	shalt  }
0x60: {  	_ =	shalt  }
0x61: {  	_ =	shalt  }
0x62: {  	_ =	shalt  }
0x63: {  	_ =	shalt  }
0x64: {  	_ =	shalt  }
0x65: {  	_ =	shalt  }
0x66: {  	_ =	shalt  }
0x67: {  	_ =	shalt  }
0x68: {  	_ =	shalt  }
0x69: {  	_ =	shalt  }
0x6a: {  	_ =	shalt  }
0x6b: {  	_ =	shalt  }
0x6c: {  	_ =	shalt  }
0x6d: {  	_ =	shalt  }
0x6e: {  	_ =	shalt  }
0x6f: {  	_ =	shalt  }
0x70: {  	_ =	shalt  }
0x71: {  	_ =	shalt  }
0x72: {  	_ =	shalt  }
0x73: {  	_ =	shalt  }
0x74: {  	_ =	shalt  }
0x75: {  	_ =	shalt  }
0x76: {  	_ =	shalt  }
0x77: {  	_ =	shalt  }
0x78: {  	_ =	shalt  }
0x79: {  	_ =	shalt  }
0x7a: {  	_ =	shalt  }
0x7b: {  	_ =	shalt  }
0x7c: {  	_ =	shalt  }
0x7d: {  	_ =	shalt  }
0x7e: {  	_ =	shalt  }
0x7f: {  	_ =	shalt  }
0x80: {  	_ =	shalt  }
0x81: {  	_ =	shalt  }
0x82: {  	_ =	shalt  }
0x83: {  	_ =	shalt  }
0x84: {  	_ =	shalt  }
0x85: {  	_ =	shalt  }
0x86: {  	_ =	shalt  }
0x87: {  	_ =	shalt  }
.Lfunc_end0:
.L_simem_size_0:
called_computation_lowered:
.L_overlay_start_0:
0x88: {  	s2 =	sld [smem:$0x3FD9]  }
0x89: {  	s3 =	sld [smem:$0x3FFE];
	_ =	sdelay $0x1  }
0x8a: {  	s1 =	srdreg.scid  }
0x8b: {  	s0 =	sand.u32 $0x1, s1  }
0x8c: {  	s17 =	sshll.u32 s0, $0xA;
	s2 =	sadd.s32 s3, s2  }
0x8d: {  	s2 =	sadd.s32 s2, s17  }
0x8e: {  	[smem:$0x3FC5] =	sst s2  }
0x8f: {  	_ = 	snop  }
0x90: {  	s2 =	sld [smem:$0x3FC8]  }
0x91: {  	s18 =	sld [smem:$0x3FD0];
	(tm) =	ssettm $0x1  }
0x92: {  	s4 =	sld [smem:$0x3FFB];
	_ =	sdelay $0x3  }
0x93: {  	_ =	strace s4  }
0x94: {  	s4 =	sld [smem:$0x3FFC];
	_ =	sdelay $0x3  }
0x95: {  	_ =	strace s4  }
0x96: {  	s4 =	sld [smem:$0x3FFD];
	_ =	sdelay $0x3  }
0x97: {  	_ =	strace s4  }
0x98: {  	_ =	strace $0x8FFFFFFF  }
0x99: {  	s19 =	sld [smem:$0x3FDB];
	_ =	sdelay $0x1  }
0x9a: {  	s5 =	simm.s32 $_scs_section_size  }
0x9b: {  	s6 =	simm.s32 $_size__tile_overlayer_lowered;
	s7 =	simm.s32 $_tile_overlayer_lowered  }
0x9c: {  	s22 =	simm.s32 $0x1BFF;
	s21 =	sshll.u32 s7, $0x1;
	s4 =	sadd.s32 s5, s19  }
0x9d: {  	s8 =	simm.s32 $0x0;
	s20 =	sshll.u32 s6, $0x1;
	s6 =	sadd.s32 s21, s4  }
0x9e: {  	[timem:s8], [sflag:s22] =	dma.local [hbm:s6], s20  }
0x9f: {  	_ =	swait.ge [sflag:s22], s20  }
0xa0: {  	s5 =	ssub.s32 $0x0, s20;
	[sflag:s22] =	ssyncset.done $0x0  }
0xa1: {  	[sflag:s22] =	ssyncadd.s32 s5;
	_ =	sdelay $0x1  }
0xa2: {  	s23 =	simm.s32 $0x1B8B  }
0xa3: {  	_ =	swait.ge [sflag:s23], $0x1  }
0xa4: {  	[sflag:s23] =	ssyncset.done $0x0  }
0xa5: {  	s25 =	simm.s32 $0x1B8E;
	s24 =	sld [smem:$0x3FFE];
	[sflag:s23] =	ssyncadd.s32 $0xFFFFFFFF  }
0xa6: {  	s26 =	simm.s32 $execute0_lowered;
	[smem:$0x3FD2] =	sst s25  }
0xa7: {  	s6 =	sshll.u32 s26, $0x1;
	_ =	strace $0x80000046;
	[dreg:$0x1] =	wrdreg $0xFFFFFFFF  }
0xa8: {  	s28 =	simm.s32 $_size_execute0_lowered;
	s4 =	sadd.s32 s4, s6;
	[dreg:$0x0] =	wrdreg $0x0  }
0xa9: {  	s6 =	sshll.u32 s28, $0x1;
	[dreg:$0x2] =	wrdreg s4  }
0xaa: {  	[dreg:$0x3] =	wrdreg s6  }
0xab: {  	[dreg:$0x4] =	wrdreg $0xC0  }
0xac: {  	_ =	task [dreg:s8], $0x5FFFF  }
0xad: {  	[dreg:$0x1] =	wrdreg $0xFFFFFFFF  }
0xae: {  	[dreg:$0x0] =	wrdreg $0x60  }
0xaf: {  	[dreg:$0x2] =	wrdreg s24  }
0xb0: {  	[dreg:$0x3] =	wrdreg s2  }
0xb1: {  	[dreg:$0x4] =	wrdreg s18  }
0xb2: {  	[dreg:$0x5] =	wrdreg $0x9  }
0xb3: {  	_ =	task.clear_ibuf [dreg:s8], $0x6FFFF;
	_ =	strace $0x90000046  }
0xb4: {  	s29 =	simm.s32 $0x9;
	_ =	strace $0x80000048  }
0xb5: {  	_ =	swait.ge [sflag:s29], $0x1  }
0xb6: {  	[sflag:s29] =	ssyncadd.s32 $0xFFFFFFFF  }
0xb7: {  	_ =	strace $0x90000048  }
0xb8: {  	_ =	sfence  }
0xb9: {  	s30 =	sld [smem:$0x0];
	_ =	sdelay $0x2  }
0xba: {  	s31 =	sshll.u32 s1, $0xD;
	s1 =	sshrl.u32 s1, $0x2  }
0xbb: {  	s3 =	sand.u32 $0x4000, s31;
	s1 =	sadd.s32 s1, s30  }
0xbc: {  	s0 =	sor.u32 s3, s0;
	s1 =	sshll.u32 s1, $0x11  }
0xbd: {  	s0 =	sor.u32 s1, s0  }
0xbe: {  	s0 =	sadd.s32 $0x8F2B, s0  }
0xbf: {  	[sflag:s0] =	ssyncadd.remote.s32 $0x1  }
0xc0: {  	_ =	sfence.sel $0xFFFF  }
0xc1: {  	[dreg:$0x0] =	wrdreg $0xFFFFFFFF;
	(pc) =	sbr.abs _section_cstart, $3  }
0xc2: {  	[dreg:$0x1] =	wrdreg $0xFFFFFFFF  }
0xc3: {  	_ =	task.clear_ibuf [dreg:s8], $0x2FFFF;
	_ =	strace $0x9FFFFFFF  }
0xc4: {  	(tm) =	ssettm $0x7FFFFFFF  }
0xc5: {  	_ =	shalt  }
tec
execute0_lowered:
.L_overlay_start_1:
0x0: {  	(tag) =	ssettag $0x1  }
0x1: {  	s0 =	rddreg [dreg:$0x0]  }
0x2: {  	s1 =	rddreg [dreg:$0x1]  }
0x3: {  	s5 =	rddreg [dreg:$0x2]  }
0x4: {  	s3 =	srdreg.scid;
	s4 =	stileid.u32;
	s2 =	simm.s32 $0x0  }
0x5: {  	s10 =	simm.s32 $0x80;
	s11 =	simm.s32 $0x7400;
	s12 =	simm.s32 $0x48  }
0x6: {  	s13 =	simm.s32 $0x8400;
	s15 =	simm.s32 $0x8D00;
	s17 =	simm.s32 $0x9D00  }
0x7: {  	s19 =	simm.s32 $0xA600;
	s20 =	simm.s32 $0x210;
	s21 =	simm.s32 $0xB600  }
0x8: {  	s22 =	simm.s32 $0x258;
	s23 =	simm.s32 $0xBF00;
	s24 =	simm.s32 $0x2D8  }
0x9: {  	s25 =	simm.s32 $0xCF00;
	s28 =	simm.s32 $0x2;
	s29 =	simm.s32 $0x3  }
0xa: {  	s30 =	simm.s32 $0x4;
	s3 =	sand.u32 $0x1, s3;
	s4 =	sshll.u32 s4, $0x1  }
0xb: {  	s31 =	simm.s32 $0xD800;
	[smem:$0x7FF] =	sst s2;
	s4 =	sor.u32 s3, s4  }
0xc: {  	_ =	strace $0x80000047;
	s6 =	ssub.s32 $0x2, s3;
	s3 =	sadd.s32 $0x400, s0  }
0xd: {  	s7 =	smul.u32 $0xC80, s4;
	s8 =	sshll.u32 s4, $0x9;
	s26 =	sshrl.u32 s6, $0x1  }
0xe: {  	s0 =	sadd.s32 s8, s0;
	s9 =	ssub.s32 s6, s26;
	s5 =	sadd.s32 s5, s8  }
0xf: {  	s8 =	simm.s32 $0x5;
	s26 =	simm.s32 $0x1;
	s4 =	sadd.s32 s1, s7  }
0x10: {  	s6 =	sadd.s32 $0x3E0400, s0;
	s7 =	smax.u32 s9, $0x1;
	s0 =	simm.s32 $0x0  }
.LBB2_1:
0x11: {  	[tilespmem:s2], [sflag:$0x5] =	stream.linear.gather [hbm4b:s4+s2], $0x6400, $0x38;
	[tilespmem:$0xE800] =	vst v63  }
0x12: {  	_ =	swait.ge [sflag:s8], $0x6400  }
0x13: {  	[sflag:s8] =	ssyncset.done $0x0  }
0x14: {  	s1 =	simm.s32 $0x6400;
	[sflag:s8] =	ssyncadd.s32 $0xFFFF9C00  }
0x15: {  	[tilespmem:s1], [sflag:$0x5] =	stream.linear.gather [hbm4b:s5+s2], $0x1000, $0x38;
	[tilespmem:$0xE800] =	vst v63  }
0x16: {  	_ =	swait.ge [sflag:s8], $0x1000  }
0x17: {  	[sflag:s8] =	ssyncset.done $0x0  }
0x18: {  	[sflag:s8] =	ssyncadd.s32 $0xFFFFF000  }
0x19: {  	[tilespmem:s11], [sflag:$0x1] =	stream.indirect.gather [hbm4b:s3+s10], $0x20, s2, s10, $0xb8;
	[tilespmem:$0xE800] =	vst v63  }
0x1a: {  	_ = 	snop  }
0x1b: {  	[tilespmem:s13], [sflag:$0x1] =	stream.indirect.gather [hbm4b:s3+s12], $0x20, s10, s12, $0xb8;
	[tilespmem:$0xE800] =	vst v63  }
0x1c: {  	s14 =	simm.s32 $0xC8  }
0x1d: {  	[tilespmem:s15], [sflag:$0x2] =	stream.indirect.gather [hbm4b:s3+s10], $0x20, s14, s10, $0xb8;
	[tilespmem:$0xE800] =	vst v63  }
0x1e: {  	s16 =	simm.s32 $0x148  }
0x1f: {  	[tilespmem:s17], [sflag:$0x2] =	stream.indirect.gather [hbm4b:s3+s12], $0x20, s16, s12, $0xb8;
	[tilespmem:$0xE800] =	vst v63  }
0x20: {  	s18 =	simm.s32 $0x190  }
0x21: {  	[tilespmem:s19], [sflag:$0x3] =	stream.indirect.gather [hbm4b:s3+s10], $0x20, s18, s10, $0xb8;
	[tilespmem:$0xE800] =	vst v63  }
0x22: {  	_ = 	snop  }
0x23: {  	[tilespmem:s21], [sflag:$0x3] =	stream.indirect.gather [hbm4b:s3+s12], $0x20, s20, s12, $0xb8;
	[tilespmem:$0xE800] =	vst v63  }
0x24: {  	_ = 	snop  }
0x25: {  	[tilespmem:s23], [sflag:$0x4] =	stream.indirect.gather [hbm4b:s3+s10], $0x20, s22, s10, $0xb8;
	[tilespmem:$0xE800] =	vst v63  }
0x26: {  	s1 =	simm.s32 $0x0  }
0x27: {  	[tilespmem:s25], [sflag:$0x4] =	stream.indirect.gather [hbm4b:s3+s12], $0x20, s24, s12, $0xb8;
	[tilespmem:$0xE800] =	vst v63  }
.LBB2_2:
0x28: {  	_ =	swait.ge [sflag:s26], $0x1000  }
0x29: {  	[sflag:s26] =	ssyncset.done $0x0  }
0x2a: {  	[sflag:s26] =	ssyncadd.s32 $0xFFFFF000  }
0x2b: {  	_ =	swait.ge [sflag:s26], $0x900  }
0x2c: {  	[sflag:s26] =	ssyncset.done $0x0  }
0x2d: {  	s9 =	simm.s32 $0x0;
	[sflag:s26] =	ssyncadd.s32 $0xFFFFF700  }
0x2e: {  	v0 =	vld [tilespmem:s9+$0x7400]  }
0x2f: {  	v1 =	vld [tilespmem:s9+$0x7410]  }
0x30: {  	v2 =	vld [tilespmem:s9+$0x7420]  }
0x31: {  	v3 =	vld [tilespmem:s9+$0x7430]  }
0x32: {  	v4 =	vld [tilespmem:s9+$0x7440]  }
0x33: {  	v5 =	vimm.f32 $0.0e+00;
	v6 =	vld [tilespmem:s9+$0x7450]  }
0x34: {  	v7 =	vld [tilespmem:s9+$0x7470];
	v0 =	vadd.f32 v0, v5;
	v1 =	vadd.f32 v1, v5  }
0x35: {  	v5 =	vld [tilespmem:s9+$0x7460]  }
0x36: {  	v8 =	vld [tilespmem:s9+$0x7490];
	v0 =	vadd.f32 v2, v0;
	v1 =	vadd.f32 v3, v1  }
0x37: {  	v3 =	vld [tilespmem:s9+$0x7480]  }
0x38: {  	v9 =	vld [tilespmem:s9+$0x74B0];
	v0 =	vadd.f32 v4, v0;
	v1 =	vadd.f32 v6, v1  }
0x39: {  	v6 =	vld [tilespmem:s9+$0x74A0]  }
0x3a: {  	v2 =	vld [tilespmem:s9+$0x74D0];
	v0 =	vadd.f32 v5, v0;
	v4 =	vadd.f32 v7, v1  }
0x3b: {  	v1 =	vld [tilespmem:s9+$0x74C0]  }
0x3c: {  	v5 =	vadd.f32 v3, v0;
	v7 =	vadd.f32 v8, v4;
	v3 =	vld [tilespmem:s9+$0x74E0]  }
0x3d: {  	s14 =	simm.s32 $0x100;
	v4 =	vld [tilespmem:s9+$0x74F0]  }
0x3e: {  	v0 =	vld [tilespmem:s14+$0x7400];
	s9 =	simm.s32 $0x800;
	v6 =	vadd.f32 v6, v5;
	v5 =	vadd.f32 v9, v7  }
.LBB2_3:
0x3f: {  	p0 =	sne.s32 s9, $0x6000;
	v7 =	vld [tilespmem:s14+$0x7410]  }
0x40: {  	v8 =	vld [tilespmem:s14+$0x7420];
	v1 =	vadd.f32 v1, v6;
	v2 =	vadd.f32 v2, v5  }
0x41: {  	v5 =	vld [tilespmem:s14+$0x7430]  }
0x42: {  	v6 =	vld [tilespmem:s14+$0x7440];
	v1 =	vadd.f32 v3, v1;
	v2 =	vadd.f32 v4, v2  }
0x43: {  	v3 =	vld [tilespmem:s14+$0x7450]  }
0x44: {  	v0 =	vadd.f32 v0, v1;
	v1 =	vadd.f32 v7, v2;
	v2 =	vld [tilespmem:s14+$0x7460]  }
0x45: {  	v4 =	vld [tilespmem:s14+$0x7470]  }
0x46: {  	v0 =	vadd.f32 v8, v0;
	v1 =	vadd.f32 v5, v1;
	v5 =	vld [tilespmem:s14+$0x7480]  }
0x47: {  	v7 =	vld [tilespmem:s14+$0x7490]  }
0x48: {  	v0 =	vadd.f32 v6, v0;
	v1 =	vadd.f32 v3, v1;
	v6 =	vld [tilespmem:s14+$0x74A0]  }
0x49: {  	v8 =	vld [tilespmem:s14+$0x74B0]  }
.Ltmp0:
0x4a: {  	v0 =	vadd.f32 v2, v0;
	v3 =	vadd.f32 v4, v1;
	v1 =	vld [tilespmem:s14+$0x74C0];
	(pc) =	sbr.rel @p0 .LBB2_3-.Ltmp0, $4  }
0x4b: {  	v2 =	vld [tilespmem:s14+$0x74D0]  }
0x4c: {  	v5 =	vadd.f32 v5, v0;
	v7 =	vadd.f32 v7, v3;
	v3 =	vld [tilespmem:s14+$0x74E0]  }
0x4d: {  	v4 =	vld [tilespmem:s14+$0x74F0];
	s14 =	sshra.s32 s9, $0x2  }
0x4e: {  	s9 =	sadd.s32 $0x400, s9;
	v0 =	vld [tilespmem:s14+$0x7400];
	v6 =	vadd.f32 v6, v5;
	v5 =	vadd.f32 v8, v7  }
0x4f: {  	v7 =	vld [tilespmem:s14+$0x7410]  }
0x50: {  	v8 =	vld [tilespmem:s14+$0x7420]  }
0x51: {  	v1 =	vadd.f32 v1, v6;
	v6 =	vld [tilespmem:s14+$0x7430]  }
0x52: {  	v2 =	vadd.f32 v2, v5;
	v5 =	vld [tilespmem:s14+$0x7440]  }
0x53: {  	v1 =	vadd.f32 v3, v1;
	v3 =	vld [tilespmem:s14+$0x7450]  }
0x54: {  	v2 =	vadd.f32 v4, v2;
	v4 =	vld [tilespmem:s14+$0x7460]  }
0x55: {  	s9 =	sshll.u32 s1, $0x7;
	v0 =	vadd.f32 v0, v1;
	v1 =	vld [tilespmem:s14+$0x7470]  }
0x56: {  	v2 =	vadd.f32 v7, v2;
	v7 =	vld [tilespmem:s9+$0x6400]  }
0x57: {  	v0 =	vadd.f32 v8, v0;
	v8 =	vld [tilespmem:s9+$0x6410]  }
0x58: {  	v2 =	vadd.f32 v6, v2;
	v6 =	vld [tilespmem:s14+$0x7480]  }
0x59: {  	v0 =	vadd.f32 v5, v0;
	v5 =	vld [tilespmem:s14+$0x7490]  }
0x5a: {  	v2 =	vadd.f32 v3, v2;
	v3 =	vld [tilespmem:s14+$0x74A0]  }
0x5b: {  	(erf) = vrcp.f32 v7;
	v0 =	vadd.f32 v4, v0;
	v4 =	vld [tilespmem:s14+$0x74B0]  }
0x5c: {  	v1 =	vadd.f32 v1, v2;
	v2 =	vld [tilespmem:s14+$0x74C0];
	(erf) = vrcp.f32 v8  }
0x5d: {  	v7 =	vld [tilespmem:s14+$0x74D0];
	v0 =	vadd.f32 v6, v0  }
0x5e: {  	v1 =	vadd.f32 v5, v1;
	v5 =	vld [tilespmem:s14+$0x74E0]  }
0x5f: {  	v6 =	vld [tilespmem:s14+$0x74F0];
	v0 =	vadd.f32 v3, v0  }
0x60: {  	v1 =	vadd.f32 v4, v1  }
0x61: {  	v0 =	vadd.f32 v2, v0  }
0x62: {  	v1 =	vadd.f32 v7, v1  }
0x63: {  	s14 =	sshll.u32 s1, $0x2;
	v0 =	vadd.f32 v5, v0  }
0x64: {  	s16 =	smin.u32 s14, $0x7B;
	v2 =	vpop (erf);
	v1 =	vadd.f32 v6, v1  }
0x65: {  	s16 =	smul.u32 $0x320, s16;
	v0 =	vmul.f32 v2, v0;
	v2 =	vpop (erf)  }
0x66: {  	v1 =	vmul.f32 v2, v1  }
0x67: {  	s16 =	sshrl.u32 s16, $0x2;
	[tilespmem:s9+$0xD800] =	vst v0  }
0x68: {  	s18 =	sadd.s32 $0x320, s16;
	[tilespmem:s9+$0xD810] =	vst v1  }
0x69: {  	[tilespmem:s11], [sflag:$0x1] =	stream.indirect.gather [hbm4b:s3+s10], $0x20, s18, s10, $0xb8;
	[tilespmem:$0xE800] =	vst v63  }
0x6a: {  	s16 =	sadd.s32 $0x3A0, s16  }
0x6b: {  	[tilespmem:s13], [sflag:$0x1] =	stream.indirect.gather [hbm4b:s3+s12], $0x20, s16, s12, $0xb8;
	[tilespmem:$0xE800] =	vst v63  }
0x6c: {  	_ =	swait.ge [sflag:s28], $0x1000  }
0x6d: {  	[sflag:s28] =	ssyncset.done $0x0  }
0x6e: {  	[sflag:s28] =	ssyncadd.s32 $0xFFFFF000  }
0x6f: {  	_ =	swait.ge [sflag:s28], $0x900  }
0x70: {  	[sflag:s28] =	ssyncset.done $0x0  }
0x71: {  	s18 =	simm.s32 $0x0;
	[sflag:s28] =	ssyncadd.s32 $0xFFFFF700  }
0x72: {  	v0 =	vld [tilespmem:s18+$0x8D00]  }
0x73: {  	v1 =	vld [tilespmem:s18+$0x8D10]  }
0x74: {  	v2 =	vld [tilespmem:s18+$0x8D20]  }
0x75: {  	v3 =	vld [tilespmem:s18+$0x8D30]  }
0x76: {  	v4 =	vld [tilespmem:s18+$0x8D40]  }
0x77: {  	v5 =	vimm.f32 $0.0e+00;
	v6 =	vld [tilespmem:s18+$0x8D50]  }
0x78: {  	v7 =	vld [tilespmem:s18+$0x8D70];
	v0 =	vadd.f32 v0, v5;
	v1 =	vadd.f32 v1, v5  }
0x79: {  	v5 =	vld [tilespmem:s18+$0x8D60]  }
0x7a: {  	v8 =	vld [tilespmem:s18+$0x8D90];
	v0 =	vadd.f32 v2, v0;
	v1 =	vadd.f32 v3, v1  }
0x7b: {  	v3 =	vld [tilespmem:s18+$0x8D80]  }
0x7c: {  	v9 =	vld [tilespmem:s18+$0x8DB0];
	v0 =	vadd.f32 v4, v0;
	v1 =	vadd.f32 v6, v1  }
0x7d: {  	v6 =	vld [tilespmem:s18+$0x8DA0]  }
0x7e: {  	v2 =	vld [tilespmem:s18+$0x8DD0];
	v0 =	vadd.f32 v5, v0;
	v4 =	vadd.f32 v7, v1  }
0x7f: {  	v1 =	vld [tilespmem:s18+$0x8DC0]  }
0x80: {  	v5 =	vadd.f32 v3, v0;
	v7 =	vadd.f32 v8, v4;
	v3 =	vld [tilespmem:s18+$0x8DE0]  }
0x81: {  	s16 =	simm.s32 $0x100;
	v4 =	vld [tilespmem:s18+$0x8DF0]  }
0x82: {  	v0 =	vld [tilespmem:s16+$0x8D00];
	s18 =	simm.s32 $0x800;
	v6 =	vadd.f32 v6, v5;
	v5 =	vadd.f32 v9, v7  }
.LBB2_5:
0x83: {  	p0 =	sne.s32 s18, $0x6000;
	v7 =	vld [tilespmem:s16+$0x8D10]  }
0x84: {  	v8 =	vld [tilespmem:s16+$0x8D20];
	v1 =	vadd.f32 v1, v6;
	v2 =	vadd.f32 v2, v5  }
0x85: {  	v5 =	vld [tilespmem:s16+$0x8D30]  }
0x86: {  	v6 =	vld [tilespmem:s16+$0x8D40];
	v1 =	vadd.f32 v3, v1;
	v2 =	vadd.f32 v4, v2  }
0x87: {  	v3 =	vld [tilespmem:s16+$0x8D50]  }
0x88: {  	v0 =	vadd.f32 v0, v1;
	v1 =	vadd.f32 v7, v2;
	v2 =	vld [tilespmem:s16+$0x8D60]  }
0x89: {  	v4 =	vld [tilespmem:s16+$0x8D70]  }
0x8a: {  	v0 =	vadd.f32 v8, v0;
	v1 =	vadd.f32 v5, v1;
	v5 =	vld [tilespmem:s16+$0x8D80]  }
0x8b: {  	v7 =	vld [tilespmem:s16+$0x8D90]  }
0x8c: {  	v0 =	vadd.f32 v6, v0;
	v1 =	vadd.f32 v3, v1;
	v6 =	vld [tilespmem:s16+$0x8DA0]  }
0x8d: {  	v8 =	vld [tilespmem:s16+$0x8DB0]  }
.Ltmp1:
0x8e: {  	v0 =	vadd.f32 v2, v0;
	v3 =	vadd.f32 v4, v1;
	v1 =	vld [tilespmem:s16+$0x8DC0];
	(pc) =	sbr.rel @p0 .LBB2_5-.Ltmp1, $4  }
0x8f: {  	v2 =	vld [tilespmem:s16+$0x8DD0]  }
0x90: {  	v5 =	vadd.f32 v5, v0;
	v7 =	vadd.f32 v7, v3;
	v3 =	vld [tilespmem:s16+$0x8DE0]  }
0x91: {  	v4 =	vld [tilespmem:s16+$0x8DF0];
	s16 =	sshra.s32 s18, $0x2  }
0x92: {  	s18 =	sadd.s32 $0x400, s18;
	v0 =	vld [tilespmem:s16+$0x8D00];
	v6 =	vadd.f32 v6, v5;
	v5 =	vadd.f32 v8, v7  }
0x93: {  	v7 =	vld [tilespmem:s16+$0x8D10]  }
0x94: {  	v8 =	vld [tilespmem:s16+$0x8D20]  }
0x95: {  	v1 =	vadd.f32 v1, v6;
	v6 =	vld [tilespmem:s16+$0x8D30]  }
0x96: {  	v2 =	vadd.f32 v2, v5;
	v5 =	vld [tilespmem:s16+$0x8D40]  }
0x97: {  	v1 =	vadd.f32 v3, v1;
	v3 =	vld [tilespmem:s16+$0x8D50]  }
0x98: {  	v2 =	vadd.f32 v4, v2;
	v4 =	vld [tilespmem:s16+$0x8D60]  }
0x99: {  	v0 =	vadd.f32 v0, v1;
	v1 =	vld [tilespmem:s16+$0x8D70]  }
0x9a: {  	v2 =	vadd.f32 v7, v2;
	v7 =	vld [tilespmem:s9+$0x6420]  }
0x9b: {  	v0 =	vadd.f32 v8, v0;
	v8 =	vld [tilespmem:s9+$0x6430]  }
0x9c: {  	v2 =	vadd.f32 v6, v2;
	v6 =	vld [tilespmem:s16+$0x8D80]  }
0x9d: {  	v0 =	vadd.f32 v5, v0;
	v5 =	vld [tilespmem:s16+$0x8D90]  }
0x9e: {  	v2 =	vadd.f32 v3, v2;
	v3 =	vld [tilespmem:s16+$0x8DA0]  }
0x9f: {  	(erf) = vrcp.f32 v7;
	v0 =	vadd.f32 v4, v0;
	v4 =	vld [tilespmem:s16+$0x8DB0]  }
0xa0: {  	v1 =	vadd.f32 v1, v2;
	v2 =	vld [tilespmem:s16+$0x8DC0];
	(erf) = vrcp.f32 v8  }
0xa1: {  	v7 =	vld [tilespmem:s16+$0x8DD0];
	v0 =	vadd.f32 v6, v0  }
0xa2: {  	v1 =	vadd.f32 v5, v1;
	v5 =	vld [tilespmem:s16+$0x8DE0]  }
0xa3: {  	v6 =	vld [tilespmem:s16+$0x8DF0];
	v0 =	vadd.f32 v3, v0  }
0xa4: {  	v1 =	vadd.f32 v4, v1  }
0xa5: {  	v0 =	vadd.f32 v2, v0  }
0xa6: {  	v1 =	vadd.f32 v7, v1  }
0xa7: {  	v0 =	vadd.f32 v5, v0  }
0xa8: {  	s18 =	smin.u32 s14, $0x7A;
	v2 =	vpop (erf);
	v1 =	vadd.f32 v6, v1  }
0xa9: {  	s16 =	smul.u32 $0x320, s18;
	v0 =	vmul.f32 v2, v0;
	v2 =	vpop (erf)  }
0xaa: {  	v1 =	vmul.f32 v2, v1  }
0xab: {  	s16 =	sshrl.u32 s16, $0x2;
	[tilespmem:s9+$0xD820] =	vst v0  }
0xac: {  	s18 =	sadd.s32 $0x3E8, s16;
	[tilespmem:s9+$0xD830] =	vst v1  }
0xad: {  	[tilespmem:s15], [sflag:$0x2] =	stream.indirect.gather [hbm4b:s3+s10], $0x20, s18, s10, $0xb8;
	[tilespmem:$0xE800] =	vst v63  }
0xae: {  	s16 =	sadd.s32 $0x468, s16  }
0xaf: {  	[tilespmem:s17], [sflag:$0x2] =	stream.indirect.gather [hbm4b:s3+s12], $0x20, s16, s12, $0xb8;
	[tilespmem:$0xE800] =	vst v63  }
0xb0: {  	_ =	swait.ge [sflag:s29], $0x1000  }
0xb1: {  	[sflag:s29] =	ssyncset.done $0x0  }
0xb2: {  	[sflag:s29] =	ssyncadd.s32 $0xFFFFF000  }
0xb3: {  	_ =	swait.ge [sflag:s29], $0x900  }
0xb4: {  	[sflag:s29] =	ssyncset.done $0x0  }
0xb5: {  	s18 =	simm.s32 $0x0;
	[sflag:s29] =	ssyncadd.s32 $0xFFFFF700  }
0xb6: {  	v0 =	vld [tilespmem:s18+$0xA600]  }
0xb7: {  	v1 =	vld [tilespmem:s18+$0xA610]  }
0xb8: {  	v2 =	vld [tilespmem:s18+$0xA620]  }
0xb9: {  	v3 =	vld [tilespmem:s18+$0xA630]  }
0xba: {  	v4 =	vld [tilespmem:s18+$0xA640]  }
0xbb: {  	v5 =	vimm.f32 $0.0e+00;
	v6 =	vld [tilespmem:s18+$0xA650]  }
0xbc: {  	v7 =	vld [tilespmem:s18+$0xA670];
	v0 =	vadd.f32 v0, v5;
	v1 =	vadd.f32 v1, v5  }
0xbd: {  	v5 =	vld [tilespmem:s18+$0xA660]  }
0xbe: {  	v8 =	vld [tilespmem:s18+$0xA690];
	v0 =	vadd.f32 v2, v0;
	v1 =	vadd.f32 v3, v1  }
0xbf: {  	v3 =	vld [tilespmem:s18+$0xA680]  }
0xc0: {  	v9 =	vld [tilespmem:s18+$0xA6B0];
	v0 =	vadd.f32 v4, v0;
	v1 =	vadd.f32 v6, v1  }
0xc1: {  	v6 =	vld [tilespmem:s18+$0xA6A0]  }
0xc2: {  	v2 =	vld [tilespmem:s18+$0xA6D0];
	v0 =	vadd.f32 v5, v0;
	v4 =	vadd.f32 v7, v1  }
0xc3: {  	v1 =	vld [tilespmem:s18+$0xA6C0]  }
0xc4: {  	v5 =	vadd.f32 v3, v0;
	v7 =	vadd.f32 v8, v4;
	v3 =	vld [tilespmem:s18+$0xA6E0]  }
0xc5: {  	s16 =	simm.s32 $0x100;
	v4 =	vld [tilespmem:s18+$0xA6F0]  }
0xc6: {  	v0 =	vld [tilespmem:s16+$0xA600];
	s18 =	simm.s32 $0x800;
	v6 =	vadd.f32 v6, v5;
	v5 =	vadd.f32 v9, v7  }
.LBB2_7:
0xc7: {  	p0 =	sne.s32 s18, $0x6000;
	v7 =	vld [tilespmem:s16+$0xA610]  }
0xc8: {  	v8 =	vld [tilespmem:s16+$0xA620];
	v1 =	vadd.f32 v1, v6;
	v2 =	vadd.f32 v2, v5  }
0xc9: {  	v5 =	vld [tilespmem:s16+$0xA630]  }
0xca: {  	v6 =	vld [tilespmem:s16+$0xA640];
	v1 =	vadd.f32 v3, v1;
	v2 =	vadd.f32 v4, v2  }
0xcb: {  	v3 =	vld [tilespmem:s16+$0xA650]  }
0xcc: {  	v0 =	vadd.f32 v0, v1;
	v1 =	vadd.f32 v7, v2;
	v2 =	vld [tilespmem:s16+$0xA660]  }
0xcd: {  	v4 =	vld [tilespmem:s16+$0xA670]  }
0xce: {  	v0 =	vadd.f32 v8, v0;
	v1 =	vadd.f32 v5, v1;
	v5 =	vld [tilespmem:s16+$0xA680]  }
0xcf: {  	v7 =	vld [tilespmem:s16+$0xA690]  }
0xd0: {  	v0 =	vadd.f32 v6, v0;
	v1 =	vadd.f32 v3, v1;
	v6 =	vld [tilespmem:s16+$0xA6A0]  }
0xd1: {  	v8 =	vld [tilespmem:s16+$0xA6B0]  }
.Ltmp2:
0xd2: {  	v0 =	vadd.f32 v2, v0;
	v3 =	vadd.f32 v4, v1;
	v1 =	vld [tilespmem:s16+$0xA6C0];
	(pc) =	sbr.rel @p0 .LBB2_7-.Ltmp2, $4  }
0xd3: {  	v2 =	vld [tilespmem:s16+$0xA6D0]  }
0xd4: {  	v5 =	vadd.f32 v5, v0;
	v7 =	vadd.f32 v7, v3;
	v3 =	vld [tilespmem:s16+$0xA6E0]  }
0xd5: {  	v4 =	vld [tilespmem:s16+$0xA6F0];
	s16 =	sshra.s32 s18, $0x2  }
0xd6: {  	s18 =	sadd.s32 $0x400, s18;
	v0 =	vld [tilespmem:s16+$0xA600];
	v6 =	vadd.f32 v6, v5;
	v5 =	vadd.f32 v8, v7  }
0xd7: {  	v7 =	vld [tilespmem:s16+$0xA610]  }
0xd8: {  	v8 =	vld [tilespmem:s16+$0xA620]  }
0xd9: {  	v1 =	vadd.f32 v1, v6;
	v6 =	vld [tilespmem:s16+$0xA630]  }
0xda: {  	v2 =	vadd.f32 v2, v5;
	v5 =	vld [tilespmem:s16+$0xA640]  }
0xdb: {  	v1 =	vadd.f32 v3, v1;
	v3 =	vld [tilespmem:s16+$0xA650]  }
0xdc: {  	v2 =	vadd.f32 v4, v2;
	v4 =	vld [tilespmem:s16+$0xA660]  }
0xdd: {  	v0 =	vadd.f32 v0, v1;
	v1 =	vld [tilespmem:s16+$0xA670]  }
0xde: {  	v2 =	vadd.f32 v7, v2;
	v7 =	vld [tilespmem:s9+$0x6440]  }
0xdf: {  	v0 =	vadd.f32 v8, v0;
	v8 =	vld [tilespmem:s9+$0x6450]  }
0xe0: {  	v2 =	vadd.f32 v6, v2;
	v6 =	vld [tilespmem:s16+$0xA680]  }
0xe1: {  	v0 =	vadd.f32 v5, v0;
	v5 =	vld [tilespmem:s16+$0xA690]  }
0xe2: {  	v2 =	vadd.f32 v3, v2;
	v3 =	vld [tilespmem:s16+$0xA6A0]  }
0xe3: {  	(erf) = vrcp.f32 v7;
	v0 =	vadd.f32 v4, v0;
	v4 =	vld [tilespmem:s16+$0xA6B0]  }
0xe4: {  	v1 =	vadd.f32 v1, v2;
	v2 =	vld [tilespmem:s16+$0xA6C0];
	(erf) = vrcp.f32 v8  }
0xe5: {  	v7 =	vld [tilespmem:s16+$0xA6D0];
	v0 =	vadd.f32 v6, v0  }
0xe6: {  	v1 =	vadd.f32 v5, v1;
	v5 =	vld [tilespmem:s16+$0xA6E0]  }
0xe7: {  	v6 =	vld [tilespmem:s16+$0xA6F0];
	v0 =	vadd.f32 v3, v0  }
0xe8: {  	v1 =	vadd.f32 v4, v1  }
0xe9: {  	v0 =	vadd.f32 v2, v0  }
0xea: {  	v1 =	vadd.f32 v7, v1  }
0xeb: {  	v0 =	vadd.f32 v5, v0  }
0xec: {  	s18 =	smin.u32 s14, $0x79;
	v2 =	vpop (erf);
	v1 =	vadd.f32 v6, v1  }
0xed: {  	s16 =	smul.u32 $0x320, s18;
	v0 =	vmul.f32 v2, v0;
	v2 =	vpop (erf)  }
0xee: {  	v1 =	vmul.f32 v2, v1  }
0xef: {  	s16 =	sshrl.u32 s16, $0x2;
	[tilespmem:s9+$0xD840] =	vst v0  }
0xf0: {  	s18 =	sadd.s32 $0x4B0, s16;
	[tilespmem:s9+$0xD850] =	vst v1  }
0xf1: {  	[tilespmem:s19], [sflag:$0x3] =	stream.indirect.gather [hbm4b:s3+s10], $0x20, s18, s10, $0xb8;
	[tilespmem:$0xE800] =	vst v63  }
0xf2: {  	s16 =	sadd.s32 $0x530, s16  }
0xf3: {  	[tilespmem:s21], [sflag:$0x3] =	stream.indirect.gather [hbm4b:s3+s12], $0x20, s16, s12, $0xb8;
	[tilespmem:$0xE800] =	vst v63  }
0xf4: {  	_ =	swait.ge [sflag:s30], $0x1000  }
0xf5: {  	[sflag:s30] =	ssyncset.done $0x0  }
0xf6: {  	[sflag:s30] =	ssyncadd.s32 $0xFFFFF000  }
0xf7: {  	_ =	swait.ge [sflag:s30], $0x900  }
0xf8: {  	[sflag:s30] =	ssyncset.done $0x0  }
0xf9: {  	s18 =	simm.s32 $0x0;
	[sflag:s30] =	ssyncadd.s32 $0xFFFFF700  }
0xfa: {  	v0 =	vld [tilespmem:s18+$0xBF00]  }
0xfb: {  	v1 =	vld [tilespmem:s18+$0xBF10]  }
0xfc: {  	v2 =	vld [tilespmem:s18+$0xBF20]  }
0xfd: {  	v3 =	vld [tilespmem:s18+$0xBF30]  }
0xfe: {  	v4 =	vld [tilespmem:s18+$0xBF40]  }
0xff: {  	v5 =	vimm.f32 $0.0e+00;
	v6 =	vld [tilespmem:s18+$0xBF50]  }
0x100: {  	v7 =	vld [tilespmem:s18+$0xBF70];
	v0 =	vadd.f32 v0, v5;
	v1 =	vadd.f32 v1, v5  }
0x101: {  	v5 =	vld [tilespmem:s18+$0xBF60]  }
0x102: {  	v8 =	vld [tilespmem:s18+$0xBF90];
	v0 =	vadd.f32 v2, v0;
	v1 =	vadd.f32 v3, v1  }
0x103: {  	v3 =	vld [tilespmem:s18+$0xBF80]  }
0x104: {  	v9 =	vld [tilespmem:s18+$0xBFB0];
	v0 =	vadd.f32 v4, v0;
	v1 =	vadd.f32 v6, v1  }
0x105: {  	v6 =	vld [tilespmem:s18+$0xBFA0]  }
0x106: {  	v2 =	vld [tilespmem:s18+$0xBFD0];
	v0 =	vadd.f32 v5, v0;
	v4 =	vadd.f32 v7, v1  }
0x107: {  	v1 =	vld [tilespmem:s18+$0xBFC0]  }
0x108: {  	v5 =	vadd.f32 v3, v0;
	v7 =	vadd.f32 v8, v4;
	v3 =	vld [tilespmem:s18+$0xBFE0]  }
0x109: {  	s16 =	simm.s32 $0x100;
	v4 =	vld [tilespmem:s18+$0xBFF0]  }
0x10a: {  	v0 =	vld [tilespmem:s16+$0xBF00];
	s18 =	simm.s32 $0x800;
	v6 =	vadd.f32 v6, v5;
	v5 =	vadd.f32 v9, v7  }
.LBB2_9:
0x10b: {  	p0 =	sne.s32 s18, $0x6000;
	v7 =	vld [tilespmem:s16+$0xBF10]  }
0x10c: {  	v8 =	vld [tilespmem:s16+$0xBF20];
	v1 =	vadd.f32 v1, v6;
	v2 =	vadd.f32 v2, v5  }
0x10d: {  	v5 =	vld [tilespmem:s16+$0xBF30]  }
0x10e: {  	v6 =	vld [tilespmem:s16+$0xBF40];
	v1 =	vadd.f32 v3, v1;
	v2 =	vadd.f32 v4, v2  }
0x10f: {  	v3 =	vld [tilespmem:s16+$0xBF50]  }
0x110: {  	v0 =	vadd.f32 v0, v1;
	v1 =	vadd.f32 v7, v2;
	v2 =	vld [tilespmem:s16+$0xBF60]  }
0x111: {  	v4 =	vld [tilespmem:s16+$0xBF70]  }
0x112: {  	v0 =	vadd.f32 v8, v0;
	v1 =	vadd.f32 v5, v1;
	v5 =	vld [tilespmem:s16+$0xBF80]  }
0x113: {  	v7 =	vld [tilespmem:s16+$0xBF90]  }
0x114: {  	v0 =	vadd.f32 v6, v0;
	v1 =	vadd.f32 v3, v1;
	v6 =	vld [tilespmem:s16+$0xBFA0]  }
0x115: {  	v8 =	vld [tilespmem:s16+$0xBFB0]  }
.Ltmp3:
0x116: {  	v0 =	vadd.f32 v2, v0;
	v3 =	vadd.f32 v4, v1;
	v1 =	vld [tilespmem:s16+$0xBFC0];
	(pc) =	sbr.rel @p0 .LBB2_9-.Ltmp3, $4  }
0x117: {  	v2 =	vld [tilespmem:s16+$0xBFD0]  }
0x118: {  	v5 =	vadd.f32 v5, v0;
	v7 =	vadd.f32 v7, v3;
	v3 =	vld [tilespmem:s16+$0xBFE0]  }
0x119: {  	v4 =	vld [tilespmem:s16+$0xBFF0];
	s16 =	sshra.s32 s18, $0x2  }
0x11a: {  	s18 =	sadd.s32 $0x400, s18;
	v0 =	vld [tilespmem:s16+$0xBF00];
	v6 =	vadd.f32 v6, v5;
	v5 =	vadd.f32 v8, v7  }
0x11b: {  	v7 =	vld [tilespmem:s16+$0xBF10]  }
0x11c: {  	v8 =	vld [tilespmem:s16+$0xBF20]  }
0x11d: {  	v47 =	vld [tilespmem:s16+$0xBF30];
	v1 =	vadd.f32 v1, v6  }
0x11e: {  	v48 =	vld [tilespmem:s16+$0xBF40];
	v2 =	vadd.f32 v2, v5  }
0x11f: {  	v49 =	vld [tilespmem:s16+$0xBF50];
	v1 =	vadd.f32 v3, v1  }
0x120: {  	v50 =	vld [tilespmem:s16+$0xBF60];
	v2 =	vadd.f32 v4, v2  }
0x121: {  	v51 =	vld [tilespmem:s16+$0xBF70];
	v0 =	vadd.f32 v0, v1  }
0x122: {  	v52 =	vld [tilespmem:s9+$0x6460];
	v2 =	vadd.f32 v7, v2  }
0x123: {  	v53 =	vld [tilespmem:s9+$0x6470];
	v0 =	vadd.f32 v8, v0  }
0x124: {  	v54 =	vld [tilespmem:s16+$0xBF80];
	v2 =	vadd.f32 v47, v2  }
0x125: {  	v55 =	vld [tilespmem:s16+$0xBF90];
	v0 =	vadd.f32 v48, v0  }
0x126: {  	v56 =	vld [tilespmem:s16+$0xBFA0];
	v2 =	vadd.f32 v49, v2  }
0x127: {  	v57 =	vld [tilespmem:s16+$0xBFB0];
	(erf) = vrcp.f32 v52;
	v0 =	vadd.f32 v50, v0  }
0x128: {  	v58 =	vld [tilespmem:s16+$0xBFC0];
	(erf) = vrcp.f32 v53;
	v1 =	vadd.f32 v51, v2  }
0x129: {  	v59 =	vld [tilespmem:s16+$0xBFD0];
	v0 =	vadd.f32 v54, v0  }
0x12a: {  	v60 =	vld [tilespmem:s16+$0xBFE0];
	v1 =	vadd.f32 v55, v1  }
0x12b: {  	v61 =	vld [tilespmem:s16+$0xBFF0];
	v0 =	vadd.f32 v56, v0  }
0x12c: {  	v1 =	vadd.f32 v57, v1  }
0x12d: {  	v0 =	vadd.f32 v58, v0  }
0x12e: {  	v1 =	vadd.f32 v59, v1  }
0x12f: {  	v0 =	vadd.f32 v60, v0  }
0x130: {  	s14 =	smin.u32 s14, $0x78;
	v62 =	vpop (erf);
	v1 =	vadd.f32 v61, v1  }
0x131: {  	s1 =	sadd.s32 $0x1, s1;
	s14 =	smul.u32 $0x320, s14;
	v63 =	vpop (erf);
	v0 =	vmul.f32 v62, v0  }
0x132: {  	p0 =	sne.s32 s1, $0x20;
	v1 =	vmul.f32 v63, v1  }
.Ltmp4:
0x133: {  	s14 =	sshrl.u32 s14, $0x2;
	[tilespmem:s9+$0xD860] =	vst v0;
	(pc) =	sbr.rel @p0 .LBB2_2-.Ltmp4, $4  }
0x134: {  	s16 =	sadd.s32 $0x578, s14;
	[tilespmem:s9+$0xD870] =	vst v1  }
0x135: {  	[tilespmem:s23], [sflag:$0x4] =	stream.indirect.gather [hbm4b:s3+s10], $0x20, s16, s10, $0xb8;
	[tilespmem:$0xE800] =	vst v63  }
0x136: {  	s18 =	sadd.s32 $0x5F8, s14  }
0x137: {  	[tilespmem:s25], [sflag:$0x4] =	stream.indirect.gather [hbm4b:s3+s12], $0x20, s18, s12, $0xb8;
	[tilespmem:$0xE800] =	vst v63  }
0x138: {  	_ =	swait.ge [sflag:s26], $0x1000  }
0x139: {  	[sflag:s26] =	ssyncset.done $0x0  }
0x13a: {  	[sflag:s26] =	ssyncadd.s32 $0xFFFFF000  }
0x13b: {  	_ =	swait.ge [sflag:s26], $0x900  }
0x13c: {  	[sflag:s26] =	ssyncset.done $0x0  }
0x13d: {  	[sflag:s26] =	ssyncadd.s32 $0xFFFFF700  }
0x13e: {  	_ =	swait.ge [sflag:s28], $0x1000  }
0x13f: {  	[sflag:s28] =	ssyncset.done $0x0  }
0x140: {  	[sflag:s28] =	ssyncadd.s32 $0xFFFFF000  }
0x141: {  	_ =	swait.ge [sflag:s28], $0x900  }
0x142: {  	[sflag:s28] =	ssyncset.done $0x0  }
0x143: {  	[sflag:s28] =	ssyncadd.s32 $0xFFFFF700  }
0x144: {  	_ =	swait.ge [sflag:s29], $0x1000  }
0x145: {  	[sflag:s29] =	ssyncset.done $0x0  }
0x146: {  	[sflag:s29] =	ssyncadd.s32 $0xFFFFF000  }
0x147: {  	_ =	swait.ge [sflag:s29], $0x900  }
0x148: {  	[sflag:s29] =	ssyncset.done $0x0  }
0x149: {  	[sflag:s29] =	ssyncadd.s32 $0xFFFFF700  }
0x14a: {  	_ =	swait.ge [sflag:s30], $0x1000  }
0x14b: {  	[sflag:s30] =	ssyncset.done $0x0  }
0x14c: {  	[sflag:s30] =	ssyncadd.s32 $0xFFFFF000  }
0x14d: {  	s0 =	sadd.s32 $0x1, s0;
	_ =	swait.ge [sflag:s30], $0x900  }
0x14e: {  	p0 =	sne.s32 s0, s7;
	[sflag:s30] =	ssyncset.done $0x0  }
.Ltmp5:
0x14f: {  	[sflag:s30] =	ssyncadd.s32 $0xFFFFF700;
	(pc) =	sbr.rel @p0 .LBB2_1-.Ltmp5, $4  }
0x150: {  	[hbm4b:s6+s2] =	stream.linear.scatter [tilespmem:s31], [sflag:$0x5], $0x1000, $0x38;
	[tilespmem:$0xE800] =	vst v63  }
0x151: {  	_ =	swait.ge [sflag:s8], $0x1000  }
0x152: {  	[sflag:s8] =	ssyncset.done $0x0  }
0x153: {  	[sflag:s8] =	ssyncadd.s32 $0xFFFFF000  }
0x154: {  	_ =	sfence.sel $0x180000  }
0x155: {  	[bflag:$0x0] =	sbarrier.arrive $0xFFFF  }
0x156: {  	_ =	strace $0x90000047  }
0x157: {  	s0 =	stileid.u32;
	[bflag:$0x2] =	sbarrier.arrive $0xFFFF  }
0x158: {  	p0 =	sne.s32 s0, $0x0;
	s0 =	rddreg [dreg:$0x3]  }
0x159: {  	s0 =	sadd.s32 @!p0 $0x100000, s0  }
0x15a: {  	[sflag:s0] =	ssyncadd.tile.s32 @!p0 $0x1;
	_ =	shalt  }
.Lfunc_end2:
_tile_overlayer_lowered:
.L_overlay_start_2:
0x15b: {  	(tag) =	ssettag $0x2  }
0x15c: {  	s0 =	rddreg [dreg:$0x0];
	s2 =	stileid.u32  }
0x15d: {  	s1 =	rddreg [dreg:$0x1];
	p0 =	sne.s32 s2, $0x0  }
0x15e: {  	s3 =	rddreg [dreg:$0x2];
	[bflag:$0x3] =	sbarrier.arrive $0xFFFF;
	s2 =	simm.s32 @!p0 $0x1C05  }
0x15f: {  	[timem:s3], [sflag:s2] =	dma.local @!p0 [hbm:s0], s1  }
0x160: {  	s0 =	simm.s32 @!p0 $0x5  }
0x161: {  	_ =	swait.ge @!p0 [sflag:s0], s1  }
0x162: {  	s1 =	ssub.s32 @!p0 $0x0, s1;
	[sflag:s0] =	ssyncset.done @!p0 $0x0  }
0x163: {  	[sflag:s0] =	ssyncadd.s32 @!p0 s1  }
0x164: {  	[bflag:$0x3] =	sbarrier.arrive $0xFFFF  }
0x165: {  	_ =	shalt  }

</sc_bundles>
